<compile_context>
chip_gen: v7x
topology: tpu7x:2x2x1
jax: 0.10.2.dev20260603
libtpu: 0.0.44.dev20260713+nightly
codegen_flags: <defaults>
</compile_context>

<pallas_src>
import functools

import jax
import jax.numpy as jnp
from jax import lax
from jax.experimental import pallas as pl
from jax.experimental.pallas import tpu as pltpu
from jax.experimental.pallas import tpu_sc as plsc

N_NODES = 10000
D = 128
E = 320000
BLK = 128
NB = E // BLK
NC = 2
NS = 16
NW = NC * NS
NBLK_BASE = NB // NW
NBLK_REM = NB - NBLK_BASE * NW
N_PAD = 10240
ROWS_PER_TILE = N_PAD // NS
DEG_W = 128

_sc_mesh = plsc.VectorSubcoreMesh(core_axis_name="c", subcore_axis_name="s")


@functools.partial(
    pl.kernel,
    out_type=jax.ShapeDtypeStruct((NC, N_PAD, DEG_W), jnp.float32),
    mesh=_sc_mesh,
    scratch_types=[
        pltpu.VMEM((BLK,), jnp.int32),
        pltpu.VMEM((BLK, DEG_W), jnp.float32),
        pltpu.VMEM_SHARED((N_PAD, DEG_W), jnp.float32),
    ],
)
def _deg_kernel(dst_hbm, ones_hbm, zeros_hbm, out_hbm, idx_d, ones_v, accum):
    cid = lax.axis_index("c")
    sid = lax.axis_index("s")
    wid = sid * NC + cid
    pltpu.sync_copy(ones_hbm, ones_v)
    pltpu.sync_copy(zeros_hbm, accum.at[pl.ds(sid * ROWS_PER_TILE, ROWS_PER_TILE)])
    plsc.subcore_barrier()
    nblk = NBLK_BASE + jnp.where(wid < NBLK_REM, 1, 0)

    def body(j, carry):
        off = (wid + j * NW) * BLK
        pltpu.sync_copy(dst_hbm.at[pl.ds(off, BLK)], idx_d)
        pltpu.sync_copy(ones_v, accum.at[idx_d], add=True)
        return carry

    lax.fori_loop(0, nblk, body, 0)
    plsc.subcore_barrier()
    pltpu.sync_copy(
        accum.at[pl.ds(sid * ROWS_PER_TILE, ROWS_PER_TILE)],
        out_hbm.at[cid, pl.ds(sid * ROWS_PER_TILE, ROWS_PER_TILE)],
    )


@functools.partial(
    pl.kernel,
    out_type=jax.ShapeDtypeStruct((NC, N_PAD, D), jnp.float32),
    mesh=_sc_mesh,
    scratch_types=[
        pltpu.VMEM((BLK,), jnp.int32),
        pltpu.VMEM((BLK,), jnp.int32),
        pltpu.VMEM((BLK, D), jnp.float32),
        pltpu.VMEM_SHARED((N_PAD, D), jnp.float32),
        pltpu.SemaphoreType.DMA,
    ],
)
def _scatter_kernel(g_hbm, src_hbm, dst_hbm, zeros_hbm, out_hbm,
                    idx_s, idx_d, rows, accum, sem):
    cid = lax.axis_index("c")
    sid = lax.axis_index("s")
    wid = sid * NC + cid
    pltpu.sync_copy(zeros_hbm, accum.at[pl.ds(sid * ROWS_PER_TILE, ROWS_PER_TILE)])
    plsc.subcore_barrier()
    nblk = NBLK_BASE + jnp.where(wid < NBLK_REM, 1, 0)

    def body(j, carry):
        off = (wid + j * NW) * BLK
        pltpu.sync_copy(src_hbm.at[pl.ds(off, BLK)], idx_s)
        pltpu.sync_copy(dst_hbm.at[pl.ds(off, BLK)], idx_d)
        pltpu.async_copy(g_hbm.at[idx_s], rows, sem).wait()
        pltpu.sync_copy(rows, accum.at[idx_d], add=True)
        return carry

    lax.fori_loop(0, nblk, body, 0)
    plsc.subcore_barrier()
    pltpu.sync_copy(
        accum.at[pl.ds(sid * ROWS_PER_TILE, ROWS_PER_TILE)],
        out_hbm.at[cid, pl.ds(sid * ROWS_PER_TILE, ROWS_PER_TILE)],
    )



_ROWS_BLK = 2000
_GRID = N_NODES // _ROWS_BLK


def _dinv_block(degp_ref):
    d = degp_ref[0, :, 0:1] + degp_ref[1, :, 0:1] + 1.0
    return lax.rsqrt(d)


def _tc0_body(x_ref, degp_ref, wt_ref, b_ref, out0_ref, g1_ref):
    x = x_ref[...]
    dinv = _dinv_block(degp_ref)
    out0_ref[...] = jnp.dot(x, wt_ref[...], preferred_element_type=jnp.float32) + b_ref[...]
    g1_ref[...] = x * dinv


def _tc_mid_body(sp_ref, g_ref, degp_ref, wt_ref, b_ref, out_ref, gnext_ref):
    dinv = _dinv_block(degp_ref)
    h = (sp_ref[0] + sp_ref[1] + g_ref[...]) * dinv
    out_ref[...] = jnp.dot(h, wt_ref[...], preferred_element_type=jnp.float32) + b_ref[...]
    gnext_ref[...] = h * dinv


def _tc_last_body(sp_ref, g_ref, degp_ref, wt_ref, b_ref, out_ref):
    dinv = _dinv_block(degp_ref)
    h = (sp_ref[0] + sp_ref[1] + g_ref[...]) * dinv
    out_ref[...] = jnp.dot(h, wt_ref[...], preferred_element_type=jnp.float32) + b_ref[...]


_x_spec = pl.BlockSpec((_ROWS_BLK, D), lambda i: (i, 0))
_sp_spec = pl.BlockSpec((NC, _ROWS_BLK, D), lambda i: (0, i, 0))
_degp_spec = pl.BlockSpec((NC, _ROWS_BLK, DEG_W), lambda i: (0, i, 0))
_w_spec = pl.BlockSpec((D, D), lambda i: (0, 0))
_b_spec = pl.BlockSpec((1, D), lambda i: (0, 0))
_out_shape = jax.ShapeDtypeStruct((N_NODES, D), jnp.float32)

_tc0 = pl.pallas_call(
    _tc0_body,
    grid=(_GRID,),
    in_specs=[_x_spec, _degp_spec, _w_spec, _b_spec],
    out_specs=[_x_spec, _x_spec],
    out_shape=[_out_shape, _out_shape],
)

_tc_mid = pl.pallas_call(
    _tc_mid_body,
    grid=(_GRID,),
    in_specs=[_sp_spec, _x_spec, _degp_spec, _w_spec, _b_spec],
    out_specs=[_x_spec, _x_spec],
    out_shape=[_out_shape, _out_shape],
)

_tc_last = pl.pallas_call(
    _tc_last_body,
    grid=(_GRID,),
    in_specs=[_sp_spec, _x_spec, _degp_spec, _w_spec, _b_spec],
    out_specs=_x_spec,
    out_shape=_out_shape,
)


def kernel(x, edge_index, W0, b0, W1, b1, W2, b2):
    ei = edge_index.astype(jnp.int32)
    src = ei[0]
    dst = ei[1]
    ones_deg = jnp.ones((BLK, DEG_W), jnp.float32)
    zeros_deg = jnp.zeros((ROWS_PER_TILE, DEG_W), jnp.float32)
    zeros_rows = jnp.zeros((ROWS_PER_TILE, D), jnp.float32)

    degp = _deg_kernel(dst, ones_deg, zeros_deg)
    out0, g1 = _tc0(x, degp, W0.T, b0.reshape(1, D))
    sp1 = _scatter_kernel(g1, src, dst, zeros_rows)
    out1, g2 = _tc_mid(sp1, g1, degp, W1.T, b1.reshape(1, D))
    sp2 = _scatter_kernel(g2, src, dst, zeros_rows)
    out2 = _tc_last(sp2, g2, degp, W2.T, b2.reshape(1, D))
    return jnp.concatenate([out0, out1, out2], axis=-1)

# --- scband reference (transcript-rebuilt; emitter-appended) ---
"""Pipeline reference for scband-mix-hop-layer-23716809408957 (READ-ONLY COPY).

The authoritative reference and input builder live on the scoring server;
editing this copy changes nothing except your own understanding.
"""

import jax, jax.numpy as jnp
import numpy as np

N_NODES = 10000
N_EDGES = 320000
D_IN = 128
D_PER_POWER = 128
POWERS = [0, 1, 2]
ADD_SELF_LOOPS = True


def setup_inputs(seed: int = 0) -> dict:
    key = jax.random.key(seed)
    k_x, k_e, k_w0, k_b0, k_w1, k_b1, k_w2, k_b2 = jax.random.split(key, 8)
    x = jax.random.normal(k_x, (N_NODES, D_IN), dtype=jnp.float32)
    edge_index = jax.random.randint(k_e, (2, N_EDGES), 0, N_NODES, dtype=jnp.int64)
    s = 1.0 / np.sqrt(D_IN)
    W0 = jax.random.normal(k_w0, (D_PER_POWER, D_IN), dtype=jnp.float32) * s
    b0 = jax.random.normal(k_b0, (D_PER_POWER,), dtype=jnp.float32) * s
    W1 = jax.random.normal(k_w1, (D_PER_POWER, D_IN), dtype=jnp.float32) * s
    b1 = jax.random.normal(k_b1, (D_PER_POWER,), dtype=jnp.float32) * s
    W2 = jax.random.normal(k_w2, (D_PER_POWER, D_IN), dtype=jnp.float32) * s
    b2 = jax.random.normal(k_b2, (D_PER_POWER,), dtype=jnp.float32) * s
    return {"x": x, "edge_index": edge_index, "W0": W0, "b0": b0, "W1": W1, "b1": b1, "W2": W2, "b2": b2}


def _gcn_norm(edge_index, num_nodes):
    src = edge_index[0]
    dst = edge_index[1]
    if ADD_SELF_LOOPS:
        loop = jnp.arange(num_nodes, dtype=src.dtype)
        src = jnp.concatenate([src, loop])
        dst = jnp.concatenate([dst, loop])
    ew = jnp.ones((src.shape[0],), dtype=jnp.float32)
    deg = jnp.zeros((num_nodes,), dtype=jnp.float32).at[dst].add(ew)
    deg_inv_sqrt = jnp.where(deg > 0, 1.0 / jnp.sqrt(deg), 0.0)
    norm = deg_inv_sqrt[src] * deg_inv_sqrt[dst]
    return src, dst, norm


def _propagate(x, src, dst, norm, num_nodes):
    msg = x[src] * norm[:, None]
    return jnp.zeros((num_nodes, x.shape[1]), dtype=x.dtype).at[dst].add(msg)


def reference(x, edge_index, W0, b0, W1, b1, W2, b2):
    num_nodes = x.shape[0]
    src, dst, norm = _gcn_norm(edge_index, num_nodes)
    lins = [(W0, b0), (W1, b1), (W2, b2)]
    outs = [x @ W0.T + b0]
    h = x
    for (W, b) in lins[1:]:
        h = _propagate(h, src, dst, norm, num_nodes)
        outs.append(h @ W.T + b)
    outs = [outs[p] for p in POWERS]
    return jnp.concatenate(outs, axis=-1)

if __name__ == "__main__":
    import jax
    _d = setup_inputs()
    print(jax.jit(kernel)(*tuple(_d.values())))

</pallas_src>

<mosaic_0001>
#map = affine_map<(d0, d1) -> (0)>
#map1 = affine_map<(d0, d1) -> (0, 0)>
#map2 = affine_map<(d0, d1) -> (0, 0, 0)>
module attributes {stable_mosaic.version = 14 : i64} {
  func.func @_deg_kernel(%arg0: i32, %arg1: i32, %arg2: memref<320000xi32, #tpu.memory_space<hbm>>, %arg3: memref<128x128xf32, #tpu.memory_space<hbm>>, %arg4: memref<640x128xf32, #tpu.memory_space<hbm>>, %arg5: memref<2x10240x128xf32, #tpu.memory_space<hbm>>, %arg6: memref<128xi32, #tpu.memory_space<vmem>>, %arg7: memref<128x128xf32, #tpu.memory_space<vmem>>, %arg8: memref<10240x128xf32, #tpu.memory_space<vmem_shared>>) attributes {dimension_semantics = [#tpu.dimension_semantics<core_parallel>, #tpu.dimension_semantics<subcore_parallel>], iteration_bounds = array<i64: 2, 16>, scalar_prefetch = 0 : i64, scratch_operands = 3 : i64, tpu.core_type = #tpu.core_type<sc_vector_subcore>, window_params = [{transform_indices = #map}, {transform_indices = #map1}, {transform_indices = #map1}, {transform_indices = #map2}]} {
    %mul3A = arith.constant 2 : i32
    %mul3A_0 = arith.muli %arg1, %mul3A : i32
    %add3A = arith.addi %mul3A_0, %arg0 : i32
    "tpu.region"() ({
      %run_scoped3A = tpu.sem_alloc : memref<!tpu.dma_semaphore, #tpu.memory_space<semaphore_mem>>
      tpu.enqueue_dma source(%arg3 : memref<128x128xf32, #tpu.memory_space<hbm>>) target(%arg7 : memref<128x128xf32, #tpu.memory_space<vmem>>) target_semaphore(%run_scoped3A : memref<!tpu.dma_semaphore, #tpu.memory_space<semaphore_mem>>)
      tpu.wait_dma2 semaphore(%run_scoped3A : memref<!tpu.dma_semaphore, #tpu.memory_space<semaphore_mem>>) src(%arg3 : memref<128x128xf32, #tpu.memory_space<hbm>>) dst(%arg7 : memref<128x128xf32, #tpu.memory_space<vmem>>)
      tpu.yield
    }) : () -> ()
    %mul3A_1 = arith.constant 640 : i32
    %mul3A_2 = arith.muli %arg1, %mul3A_1 : i32
    "tpu.region"() ({
      %run_scoped3A = tpu.sem_alloc : memref<!tpu.dma_semaphore, #tpu.memory_space<semaphore_mem>>
      %dma_start3A = arith.constant 0 : i32
      %dma_start3A_21 = tpu.memref_slice %arg8[%mul3A_2, %dma_start3A] : memref<10240x128xf32, #tpu.memory_space<vmem_shared>> -> memref<640x128xf32, #tpu.memory_space<vmem_shared>>
      tpu.enqueue_dma source(%arg4 : memref<640x128xf32, #tpu.memory_space<hbm>>) target(%dma_start3A_21 : memref<640x128xf32, #tpu.memory_space<vmem_shared>>) target_semaphore(%run_scoped3A : memref<!tpu.dma_semaphore, #tpu.memory_space<semaphore_mem>>)
      %dma_wait3A = arith.constant 0 : i32
      %dma_wait3A_22 = tpu.memref_slice %arg8[%mul3A_2, %dma_wait3A] : memref<10240x128xf32, #tpu.memory_space<vmem_shared>> -> memref<640x128xf32, #tpu.memory_space<vmem_shared>>
      tpu.wait_dma2 semaphore(%run_scoped3A : memref<!tpu.dma_semaphore, #tpu.memory_space<semaphore_mem>>) src(%arg4 : memref<640x128xf32, #tpu.memory_space<hbm>>) dst(%dma_wait3A_22 : memref<640x128xf32, #tpu.memory_space<vmem_shared>>)
      tpu.yield
    }) : () -> ()
    %barrier3A = arith.constant 0 : index
    tpu.barrier barrier_id(%barrier3A)
    %lt3A = arith.constant 4 : i32
    %lt3A_3 = arith.cmpi slt, %add3A, %lt3A : i32
    %jit3A = arith.constant 1 : i32
    %jit3A_4 = arith.constant 0 : i32
    %select_n3A = arith.select %lt3A_3, %jit3A, %jit3A_4 : i32
    %add3A_5 = arith.constant 78 : i32
    %add3A_6 = arith.addi %add3A_5, %select_n3A : i32
    %while3A = arith.constant 0 : i32
    %while3A_7 = arith.constant 0 : i32
    %while3A_8 = arith.subi %add3A_6, %while3A_7 : i32
    %while3A_9 = arith.addi %while3A_7, %while3A_8 : i32
    %while3A_10 = arith.constant 1 : i32
    %while3A_11 = arith.divsi %while3A_8, %while3A_10 : i32
    %while3A_12 = arith.muli %while3A_11, %while3A_10 : i32
    %while3A_13 = arith.addi %while3A_7, %while3A_12 : i32
    %while3A_14 = arith.constant 1 : i32
    scf.for %while3A_21 = %while3A_7 to %while3A_13 step %while3A_14  : i32 {
      %mul3A_22 = arith.constant 32 : i32
      %mul3A_23 = arith.muli %while3A_21, %mul3A_22 : i32
      %add3A_24 = arith.addi %add3A, %mul3A_23 : i32
      %mul3A_25 = arith.constant 128 : i32
      %mul3A_26 = arith.muli %add3A_24, %mul3A_25 : i32
      "tpu.region"() ({
        %run_scoped3A = tpu.sem_alloc : memref<!tpu.dma_semaphore, #tpu.memory_space<semaphore_mem>>
        %dma_start3A = tpu.memref_slice %arg2[%mul3A_26] : memref<320000xi32, #tpu.memory_space<hbm>> -> memref<128xi32, #tpu.memory_space<hbm>>
        %dma_start3A_27 = tpu.memref_slice %arg2[%mul3A_26] : memref<320000xi32, #tpu.memory_space<hbm>> -> memref<128xi32, #tpu.memory_space<hbm>>
        tpu.enqueue_dma source(%dma_start3A_27 : memref<128xi32, #tpu.memory_space<hbm>>) target(%arg6 : memref<128xi32, #tpu.memory_space<vmem>>) target_semaphore(%run_scoped3A : memref<!tpu.dma_semaphore, #tpu.memory_space<semaphore_mem>>)
        %dma_wait3A = tpu.memref_slice %arg2[%mul3A_26] : memref<320000xi32, #tpu.memory_space<hbm>> -> memref<128xi32, #tpu.memory_space<hbm>>
        %dma_wait3A_28 = tpu.memref_slice %arg2[%mul3A_26] : memref<320000xi32, #tpu.memory_space<hbm>> -> memref<128xi32, #tpu.memory_space<hbm>>
        tpu.wait_dma2 semaphore(%run_scoped3A : memref<!tpu.dma_semaphore, #tpu.memory_space<semaphore_mem>>) src(%dma_wait3A_28 : memref<128xi32, #tpu.memory_space<hbm>>) dst(%arg6 : memref<128xi32, #tpu.memory_space<vmem>>)
        tpu.yield
      }) : () -> ()
      "tpu.region"() ({
        %run_scoped3A = tpu.sem_alloc : memref<!tpu.dma_semaphore, #tpu.memory_space<semaphore_mem>>
        %dma_start3A = arith.constant 0 : i32
        %dma_start3A_27 = arith.constant 0 : i32
        %dma_start3A_28 = tpu.memref_slice %arg8[%dma_start3A, %dma_start3A_27] : memref<10240x128xf32, #tpu.memory_space<vmem_shared>> -> memref<10240x128xf32, #tpu.memory_space<vmem_shared>>
        tpu.enqueue_indirect_dma source(%arg7 : memref<128x128xf32, #tpu.memory_space<vmem>>) target(%dma_start3A_28 : memref<10240x128xf32, #tpu.memory_space<vmem_shared>>) offsets(%arg6 : memref<128xi32, #tpu.memory_space<vmem>>) semaphore(%run_scoped3A : memref<!tpu.dma_semaphore, #tpu.memory_space<semaphore_mem>>) {add = true}
        %dma_wait3A = arith.constant 0 : i32
        %dma_wait3A_29 = arith.constant 0 : i32
        %dma_wait3A_30 = tpu.memref_slice %arg8[%dma_wait3A, %dma_wait3A_29] : memref<10240x128xf32, #tpu.memory_space<vmem_shared>> -> memref<10240x128xf32, #tpu.memory_space<vmem_shared>>
        tpu.wait_indirect_dma semaphore(%run_scoped3A : memref<!tpu.dma_semaphore, #tpu.memory_space<semaphore_mem>>) src(%arg7 : memref<128x128xf32, #tpu.memory_space<vmem>>) dst(%dma_wait3A_30 : memref<10240x128xf32, #tpu.memory_space<vmem_shared>>)
        tpu.yield
      }) : () -> ()
    }
    %while3A_15 = arith.constant 1 : i32
    scf.for %while3A_21 = %while3A_13 to %while3A_9 step %while3A_15  : i32 {
      %mul3A_22 = arith.constant 32 : i32
      %mul3A_23 = arith.muli %while3A_21, %mul3A_22 : i32
      %add3A_24 = arith.addi %add3A, %mul3A_23 : i32
      %mul3A_25 = arith.constant 128 : i32
      %mul3A_26 = arith.muli %add3A_24, %mul3A_25 : i32
      "tpu.region"() ({
        %run_scoped3A = tpu.sem_alloc : memref<!tpu.dma_semaphore, #tpu.memory_space<semaphore_mem>>
        %dma_start3A = tpu.memref_slice %arg2[%mul3A_26] : memref<320000xi32, #tpu.memory_space<hbm>> -> memref<128xi32, #tpu.memory_space<hbm>>
        %dma_start3A_27 = tpu.memref_slice %arg2[%mul3A_26] : memref<320000xi32, #tpu.memory_space<hbm>> -> memref<128xi32, #tpu.memory_space<hbm>>
        tpu.enqueue_dma source(%dma_start3A_27 : memref<128xi32, #tpu.memory_space<hbm>>) target(%arg6 : memref<128xi32, #tpu.memory_space<vmem>>) target_semaphore(%run_scoped3A : memref<!tpu.dma_semaphore, #tpu.memory_space<semaphore_mem>>)
        %dma_wait3A = tpu.memref_slice %arg2[%mul3A_26] : memref<320000xi32, #tpu.memory_space<hbm>> -> memref<128xi32, #tpu.memory_space<hbm>>
        %dma_wait3A_28 = tpu.memref_slice %arg2[%mul3A_26] : memref<320000xi32, #tpu.memory_space<hbm>> -> memref<128xi32, #tpu.memory_space<hbm>>
        tpu.wait_dma2 semaphore(%run_scoped3A : memref<!tpu.dma_semaphore, #tpu.memory_space<semaphore_mem>>) src(%dma_wait3A_28 : memref<128xi32, #tpu.memory_space<hbm>>) dst(%arg6 : memref<128xi32, #tpu.memory_space<vmem>>)
        tpu.yield
      }) : () -> ()
      "tpu.region"() ({
        %run_scoped3A = tpu.sem_alloc : memref<!tpu.dma_semaphore, #tpu.memory_space<semaphore_mem>>
        %dma_start3A = arith.constant 0 : i32
        %dma_start3A_27 = arith.constant 0 : i32
        %dma_start3A_28 = tpu.memref_slice %arg8[%dma_start3A, %dma_start3A_27] : memref<10240x128xf32, #tpu.memory_space<vmem_shared>> -> memref<10240x128xf32, #tpu.memory_space<vmem_shared>>
        tpu.enqueue_indirect_dma source(%arg7 : memref<128x128xf32, #tpu.memory_space<vmem>>) target(%dma_start3A_28 : memref<10240x128xf32, #tpu.memory_space<vmem_shared>>) offsets(%arg6 : memref<128xi32, #tpu.memory_space<vmem>>) semaphore(%run_scoped3A : memref<!tpu.dma_semaphore, #tpu.memory_space<semaphore_mem>>) {add = true}
        %dma_wait3A = arith.constant 0 : i32
        %dma_wait3A_29 = arith.constant 0 : i32
        %dma_wait3A_30 = tpu.memref_slice %arg8[%dma_wait3A, %dma_wait3A_29] : memref<10240x128xf32, #tpu.memory_space<vmem_shared>> -> memref<10240x128xf32, #tpu.memory_space<vmem_shared>>
        tpu.wait_indirect_dma semaphore(%run_scoped3A : memref<!tpu.dma_semaphore, #tpu.memory_space<semaphore_mem>>) src(%arg7 : memref<128x128xf32, #tpu.memory_space<vmem>>) dst(%dma_wait3A_30 : memref<10240x128xf32, #tpu.memory_space<vmem_shared>>)
        tpu.yield
      }) : () -> ()
    }
    %barrier3A_16 = arith.constant 0 : index
    tpu.barrier barrier_id(%barrier3A_16)
    %mul3A_17 = arith.constant 640 : i32
    %mul3A_18 = arith.muli %arg1, %mul3A_17 : i32
    %mul3A_19 = arith.constant 640 : i32
    %mul3A_20 = arith.muli %arg1, %mul3A_19 : i32
    "tpu.region"() ({
      %run_scoped3A = tpu.sem_alloc : memref<!tpu.dma_semaphore, #tpu.memory_space<semaphore_mem>>
      %dma_start3A = arith.constant 0 : i32
      %dma_start3A_21 = tpu.memref_slice %arg5[%arg0, %mul3A_20, %dma_start3A] : memref<2x10240x128xf32, #tpu.memory_space<hbm>> -> memref<1x640x128xf32, #tpu.memory_space<hbm>>
      %dma_start3A_22 = tpu.memref_squeeze %dma_start3A_21 : memref<1x640x128xf32, #tpu.memory_space<hbm>> -> memref<640x128xf32, #tpu.memory_space<hbm>>
      %dma_start3A_23 = arith.constant 0 : i32
      %dma_start3A_24 = tpu.memref_slice %arg8[%mul3A_18, %dma_start3A_23] : memref<10240x128xf32, #tpu.memory_space<vmem_shared>> -> memref<640x128xf32, #tpu.memory_space<vmem_shared>>
      tpu.enqueue_dma source(%dma_start3A_24 : memref<640x128xf32, #tpu.memory_space<vmem_shared>>) target(%dma_start3A_22 : memref<640x128xf32, #tpu.memory_space<hbm>>) target_semaphore(%run_scoped3A : memref<!tpu.dma_semaphore, #tpu.memory_space<semaphore_mem>>)
      %dma_wait3A = arith.constant 0 : i32
      %dma_wait3A_25 = tpu.memref_slice %arg5[%arg0, %mul3A_20, %dma_wait3A] : memref<2x10240x128xf32, #tpu.memory_space<hbm>> -> memref<1x640x128xf32, #tpu.memory_space<hbm>>
      %dma_wait3A_26 = tpu.memref_squeeze %dma_wait3A_25 : memref<1x640x128xf32, #tpu.memory_space<hbm>> -> memref<640x128xf32, #tpu.memory_space<hbm>>
      %dma_wait3A_27 = arith.constant 0 : i32
      %dma_wait3A_28 = tpu.memref_slice %arg8[%mul3A_18, %dma_wait3A_27] : memref<10240x128xf32, #tpu.memory_space<vmem_shared>> -> memref<640x128xf32, #tpu.memory_space<vmem_shared>>
      tpu.wait_dma2 semaphore(%run_scoped3A : memref<!tpu.dma_semaphore, #tpu.memory_space<semaphore_mem>>) src(%dma_wait3A_28 : memref<640x128xf32, #tpu.memory_space<vmem_shared>>) dst(%dma_wait3A_26 : memref<640x128xf32, #tpu.memory_space<hbm>>)
      tpu.yield
    }) : () -> ()
    return
  }
}

#map = affine_map<(d0, d1) -> (0, 0)>
#map1 = affine_map<(d0, d1) -> (0)>
#map2 = affine_map<(d0, d1) -> (0, 0, 0)>
module attributes {stable_mosaic.version = 14 : i64} {
  func.func @_scatter_kernel(%arg0: i32, %arg1: i32, %arg2: memref<10000x128xf32, #tpu.memory_space<hbm>>, %arg3: memref<320000xi32, #tpu.memory_space<hbm>>, %arg4: memref<320000xi32, #tpu.memory_space<hbm>>, %arg5: memref<640x128xf32, #tpu.memory_space<hbm>>, %arg6: memref<2x10240x128xf32, #tpu.memory_space<hbm>>, %arg7: memref<128xi32, #tpu.memory_space<vmem>>, %arg8: memref<128xi32, #tpu.memory_space<vmem>>, %arg9: memref<128x128xf32, #tpu.memory_space<vmem>>, %arg10: memref<10240x128xf32, #tpu.memory_space<vmem_shared>>, %arg11: memref<!tpu.dma_semaphore, #tpu.memory_space<semaphore_mem>>) attributes {dimension_semantics = [#tpu.dimension_semantics<core_parallel>, #tpu.dimension_semantics<subcore_parallel>], iteration_bounds = array<i64: 2, 16>, scalar_prefetch = 0 : i64, scratch_operands = 5 : i64, tpu.core_type = #tpu.core_type<sc_vector_subcore>, window_params = [{transform_indices = #map}, {transform_indices = #map1}, {transform_indices = #map1}, {transform_indices = #map}, {transform_indices = #map2}]} {
    %mul3A = arith.constant 2 : i32
    %mul3A_0 = arith.muli %arg1, %mul3A : i32
    %add3A = arith.addi %mul3A_0, %arg0 : i32
    %mul3A_1 = arith.constant 640 : i32
    %mul3A_2 = arith.muli %arg1, %mul3A_1 : i32
    "tpu.region"() ({
      %run_scoped3A = tpu.sem_alloc : memref<!tpu.dma_semaphore, #tpu.memory_space<semaphore_mem>>
      %dma_start3A = arith.constant 0 : i32
      %dma_start3A_21 = tpu.memref_slice %arg10[%mul3A_2, %dma_start3A] : memref<10240x128xf32, #tpu.memory_space<vmem_shared>> -> memref<640x128xf32, #tpu.memory_space<vmem_shared>>
      tpu.enqueue_dma source(%arg5 : memref<640x128xf32, #tpu.memory_space<hbm>>) target(%dma_start3A_21 : memref<640x128xf32, #tpu.memory_space<vmem_shared>>) target_semaphore(%run_scoped3A : memref<!tpu.dma_semaphore, #tpu.memory_space<semaphore_mem>>)
      %dma_wait3A = arith.constant 0 : i32
      %dma_wait3A_22 = tpu.memref_slice %arg10[%mul3A_2, %dma_wait3A] : memref<10240x128xf32, #tpu.memory_space<vmem_shared>> -> memref<640x128xf32, #tpu.memory_space<vmem_shared>>
      tpu.wait_dma2 semaphore(%run_scoped3A : memref<!tpu.dma_semaphore, #tpu.memory_space<semaphore_mem>>) src(%arg5 : memref<640x128xf32, #tpu.memory_space<hbm>>) dst(%dma_wait3A_22 : memref<640x128xf32, #tpu.memory_space<vmem_shared>>)
      tpu.yield
    }) : () -> ()
    %barrier3A = arith.constant 0 : index
    tpu.barrier barrier_id(%barrier3A)
    %lt3A = arith.constant 4 : i32
    %lt3A_3 = arith.cmpi slt, %add3A, %lt3A : i32
    %jit3A = arith.constant 1 : i32
    %jit3A_4 = arith.constant 0 : i32
    %select_n3A = arith.select %lt3A_3, %jit3A, %jit3A_4 : i32
    %add3A_5 = arith.constant 78 : i32
    %add3A_6 = arith.addi %add3A_5, %select_n3A : i32
    %while3A = arith.constant 0 : i32
    %while3A_7 = arith.constant 0 : i32
    %while3A_8 = arith.subi %add3A_6, %while3A_7 : i32
    %while3A_9 = arith.addi %while3A_7, %while3A_8 : i32
    %while3A_10 = arith.constant 1 : i32
    %while3A_11 = arith.divsi %while3A_8, %while3A_10 : i32
    %while3A_12 = arith.muli %while3A_11, %while3A_10 : i32
    %while3A_13 = arith.addi %while3A_7, %while3A_12 : i32
    %while3A_14 = arith.constant 1 : i32
    scf.for %while3A_21 = %while3A_7 to %while3A_13 step %while3A_14  : i32 {
      %mul3A_22 = arith.constant 32 : i32
      %mul3A_23 = arith.muli %while3A_21, %mul3A_22 : i32
      %add3A_24 = arith.addi %add3A, %mul3A_23 : i32
      %mul3A_25 = arith.constant 128 : i32
      %mul3A_26 = arith.muli %add3A_24, %mul3A_25 : i32
      "tpu.region"() ({
        %run_scoped3A = tpu.sem_alloc : memref<!tpu.dma_semaphore, #tpu.memory_space<semaphore_mem>>
        %dma_start3A_31 = tpu.memref_slice %arg3[%mul3A_26] : memref<320000xi32, #tpu.memory_space<hbm>> -> memref<128xi32, #tpu.memory_space<hbm>>
        %dma_start3A_32 = tpu.memref_slice %arg3[%mul3A_26] : memref<320000xi32, #tpu.memory_space<hbm>> -> memref<128xi32, #tpu.memory_space<hbm>>
        tpu.enqueue_dma source(%dma_start3A_32 : memref<128xi32, #tpu.memory_space<hbm>>) target(%arg7 : memref<128xi32, #tpu.memory_space<vmem>>) target_semaphore(%run_scoped3A : memref<!tpu.dma_semaphore, #tpu.memory_space<semaphore_mem>>)
        %dma_wait3A_33 = tpu.memref_slice %arg3[%mul3A_26] : memref<320000xi32, #tpu.memory_space<hbm>> -> memref<128xi32, #tpu.memory_space<hbm>>
        %dma_wait3A_34 = tpu.memref_slice %arg3[%mul3A_26] : memref<320000xi32, #tpu.memory_space<hbm>> -> memref<128xi32, #tpu.memory_space<hbm>>
        tpu.wait_dma2 semaphore(%run_scoped3A : memref<!tpu.dma_semaphore, #tpu.memory_space<semaphore_mem>>) src(%dma_wait3A_34 : memref<128xi32, #tpu.memory_space<hbm>>) dst(%arg7 : memref<128xi32, #tpu.memory_space<vmem>>)
        tpu.yield
      }) : () -> ()
      "tpu.region"() ({
        %run_scoped3A = tpu.sem_alloc : memref<!tpu.dma_semaphore, #tpu.memory_space<semaphore_mem>>
        %dma_start3A_31 = tpu.memref_slice %arg4[%mul3A_26] : memref<320000xi32, #tpu.memory_space<hbm>> -> memref<128xi32, #tpu.memory_space<hbm>>
        %dma_start3A_32 = tpu.memref_slice %arg4[%mul3A_26] : memref<320000xi32, #tpu.memory_space<hbm>> -> memref<128xi32, #tpu.memory_space<hbm>>
        tpu.enqueue_dma source(%dma_start3A_32 : memref<128xi32, #tpu.memory_space<hbm>>) target(%arg8 : memref<128xi32, #tpu.memory_space<vmem>>) target_semaphore(%run_scoped3A : memref<!tpu.dma_semaphore, #tpu.memory_space<semaphore_mem>>)
        %dma_wait3A_33 = tpu.memref_slice %arg4[%mul3A_26] : memref<320000xi32, #tpu.memory_space<hbm>> -> memref<128xi32, #tpu.memory_space<hbm>>
        %dma_wait3A_34 = tpu.memref_slice %arg4[%mul3A_26] : memref<320000xi32, #tpu.memory_space<hbm>> -> memref<128xi32, #tpu.memory_space<hbm>>
        tpu.wait_dma2 semaphore(%run_scoped3A : memref<!tpu.dma_semaphore, #tpu.memory_space<semaphore_mem>>) src(%dma_wait3A_34 : memref<128xi32, #tpu.memory_space<hbm>>) dst(%arg8 : memref<128xi32, #tpu.memory_space<vmem>>)
        tpu.yield
      }) : () -> ()
      %dma_start3A = arith.constant 0 : i32
      %dma_start3A_27 = arith.constant 0 : i32
      %dma_start3A_28 = tpu.memref_slice %arg2[%dma_start3A, %dma_start3A_27] : memref<10000x128xf32, #tpu.memory_space<hbm>> -> memref<10000x128xf32, #tpu.memory_space<hbm>>
      tpu.enqueue_indirect_dma source(%dma_start3A_28 : memref<10000x128xf32, #tpu.memory_space<hbm>>) target(%arg9 : memref<128x128xf32, #tpu.memory_space<vmem>>) offsets(%arg7 : memref<128xi32, #tpu.memory_space<vmem>>) semaphore(%arg11 : memref<!tpu.dma_semaphore, #tpu.memory_space<semaphore_mem>>)
      %dma_wait3A = arith.constant 0 : i32
      %dma_wait3A_29 = arith.constant 0 : i32
      %dma_wait3A_30 = tpu.memref_slice %arg2[%dma_wait3A, %dma_wait3A_29] : memref<10000x128xf32, #tpu.memory_space<hbm>> -> memref<10000x128xf32, #tpu.memory_space<hbm>>
      tpu.wait_indirect_dma semaphore(%arg11 : memref<!tpu.dma_semaphore, #tpu.memory_space<semaphore_mem>>) src(%dma_wait3A_30 : memref<10000x128xf32, #tpu.memory_space<hbm>>) dst(%arg9 : memref<128x128xf32, #tpu.memory_space<vmem>>)
      "tpu.region"() ({
        %run_scoped3A = tpu.sem_alloc : memref<!tpu.dma_semaphore, #tpu.memory_space<semaphore_mem>>
        %dma_start3A_31 = arith.constant 0 : i32
        %dma_start3A_32 = arith.constant 0 : i32
        %dma_start3A_33 = tpu.memref_slice %arg10[%dma_start3A_31, %dma_start3A_32] : memref<10240x128xf32, #tpu.memory_space<vmem_shared>> -> memref<10240x128xf32, #tpu.memory_space<vmem_shared>>
        tpu.enqueue_indirect_dma source(%arg9 : memref<128x128xf32, #tpu.memory_space<vmem>>) target(%dma_start3A_33 : memref<10240x128xf32, #tpu.memory_space<vmem_shared>>) offsets(%arg8 : memref<128xi32, #tpu.memory_space<vmem>>) semaphore(%run_scoped3A : memref<!tpu.dma_semaphore, #tpu.memory_space<semaphore_mem>>) {add = true}
        %dma_wait3A_34 = arith.constant 0 : i32
        %dma_wait3A_35 = arith.constant 0 : i32
        %dma_wait3A_36 = tpu.memref_slice %arg10[%dma_wait3A_34, %dma_wait3A_35] : memref<10240x128xf32, #tpu.memory_space<vmem_shared>> -> memref<10240x128xf32, #tpu.memory_space<vmem_shared>>
        tpu.wait_indirect_dma semaphore(%run_scoped3A : memref<!tpu.dma_semaphore, #tpu.memory_space<semaphore_mem>>) src(%arg9 : memref<128x128xf32, #tpu.memory_space<vmem>>) dst(%dma_wait3A_36 : memref<10240x128xf32, #tpu.memory_space<vmem_shared>>)
        tpu.yield
      }) : () -> ()
    }
    %while3A_15 = arith.constant 1 : i32
    scf.for %while3A_21 = %while3A_13 to %while3A_9 step %while3A_15  : i32 {
      %mul3A_22 = arith.constant 32 : i32
      %mul3A_23 = arith.muli %while3A_21, %mul3A_22 : i32
      %add3A_24 = arith.addi %add3A, %mul3A_23 : i32
      %mul3A_25 = arith.constant 128 : i32
      %mul3A_26 = arith.muli %add3A_24, %mul3A_25 : i32
      "tpu.region"() ({
        %run_scoped3A = tpu.sem_alloc : memref<!tpu.dma_semaphore, #tpu.memory_space<semaphore_mem>>
        %dma_start3A_31 = tpu.memref_slice %arg3[%mul3A_26] : memref<320000xi32, #tpu.memory_space<hbm>> -> memref<128xi32, #tpu.memory_space<hbm>>
        %dma_start3A_32 = tpu.memref_slice %arg3[%mul3A_26] : memref<320000xi32, #tpu.memory_space<hbm>> -> memref<128xi32, #tpu.memory_space<hbm>>
        tpu.enqueue_dma source(%dma_start3A_32 : memref<128xi32, #tpu.memory_space<hbm>>) target(%arg7 : memref<128xi32, #tpu.memory_space<vmem>>) target_semaphore(%run_scoped3A : memref<!tpu.dma_semaphore, #tpu.memory_space<semaphore_mem>>)
        %dma_wait3A_33 = tpu.memref_slice %arg3[%mul3A_26] : memref<320000xi32, #tpu.memory_space<hbm>> -> memref<128xi32, #tpu.memory_space<hbm>>
        %dma_wait3A_34 = tpu.memref_slice %arg3[%mul3A_26] : memref<320000xi32, #tpu.memory_space<hbm>> -> memref<128xi32, #tpu.memory_space<hbm>>
        tpu.wait_dma2 semaphore(%run_scoped3A : memref<!tpu.dma_semaphore, #tpu.memory_space<semaphore_mem>>) src(%dma_wait3A_34 : memref<128xi32, #tpu.memory_space<hbm>>) dst(%arg7 : memref<128xi32, #tpu.memory_space<vmem>>)
        tpu.yield
      }) : () -> ()
      "tpu.region"() ({
        %run_scoped3A = tpu.sem_alloc : memref<!tpu.dma_semaphore, #tpu.memory_space<semaphore_mem>>
        %dma_start3A_31 = tpu.memref_slice %arg4[%mul3A_26] : memref<320000xi32, #tpu.memory_space<hbm>> -> memref<128xi32, #tpu.memory_space<hbm>>
        %dma_start3A_32 = tpu.memref_slice %arg4[%mul3A_26] : memref<320000xi32, #tpu.memory_space<hbm>> -> memref<128xi32, #tpu.memory_space<hbm>>
        tpu.enqueue_dma source(%dma_start3A_32 : memref<128xi32, #tpu.memory_space<hbm>>) target(%arg8 : memref<128xi32, #tpu.memory_space<vmem>>) target_semaphore(%run_scoped3A : memref<!tpu.dma_semaphore, #tpu.memory_space<semaphore_mem>>)
        %dma_wait3A_33 = tpu.memref_slice %arg4[%mul3A_26] : memref<320000xi32, #tpu.memory_space<hbm>> -> memref<128xi32, #tpu.memory_space<hbm>>
        %dma_wait3A_34 = tpu.memref_slice %arg4[%mul3A_26] : memref<320000xi32, #tpu.memory_space<hbm>> -> memref<128xi32, #tpu.memory_space<hbm>>
        tpu.wait_dma2 semaphore(%run_scoped3A : memref<!tpu.dma_semaphore, #tpu.memory_space<semaphore_mem>>) src(%dma_wait3A_34 : memref<128xi32, #tpu.memory_space<hbm>>) dst(%arg8 : memref<128xi32, #tpu.memory_space<vmem>>)
        tpu.yield
      }) : () -> ()
      %dma_start3A = arith.constant 0 : i32
      %dma_start3A_27 = arith.constant 0 : i32
      %dma_start3A_28 = tpu.memref_slice %arg2[%dma_start3A, %dma_start3A_27] : memref<10000x128xf32, #tpu.memory_space<hbm>> -> memref<10000x128xf32, #tpu.memory_space<hbm>>
      tpu.enqueue_indirect_dma source(%dma_start3A_28 : memref<10000x128xf32, #tpu.memory_space<hbm>>) target(%arg9 : memref<128x128xf32, #tpu.memory_space<vmem>>) offsets(%arg7 : memref<128xi32, #tpu.memory_space<vmem>>) semaphore(%arg11 : memref<!tpu.dma_semaphore, #tpu.memory_space<semaphore_mem>>)
      %dma_wait3A = arith.constant 0 : i32
      %dma_wait3A_29 = arith.constant 0 : i32
      %dma_wait3A_30 = tpu.memref_slice %arg2[%dma_wait3A, %dma_wait3A_29] : memref<10000x128xf32, #tpu.memory_space<hbm>> -> memref<10000x128xf32, #tpu.memory_space<hbm>>
      tpu.wait_indirect_dma semaphore(%arg11 : memref<!tpu.dma_semaphore, #tpu.memory_space<semaphore_mem>>) src(%dma_wait3A_30 : memref<10000x128xf32, #tpu.memory_space<hbm>>) dst(%arg9 : memref<128x128xf32, #tpu.memory_space<vmem>>)
      "tpu.region"() ({
        %run_scoped3A = tpu.sem_alloc : memref<!tpu.dma_semaphore, #tpu.memory_space<semaphore_mem>>
        %dma_start3A_31 = arith.constant 0 : i32
        %dma_start3A_32 = arith.constant 0 : i32
        %dma_start3A_33 = tpu.memref_slice %arg10[%dma_start3A_31, %dma_start3A_32] : memref<10240x128xf32, #tpu.memory_space<vmem_shared>> -> memref<10240x128xf32, #tpu.memory_space<vmem_shared>>
        tpu.enqueue_indirect_dma source(%arg9 : memref<128x128xf32, #tpu.memory_space<vmem>>) target(%dma_start3A_33 : memref<10240x128xf32, #tpu.memory_space<vmem_shared>>) offsets(%arg8 : memref<128xi32, #tpu.memory_space<vmem>>) semaphore(%run_scoped3A : memref<!tpu.dma_semaphore, #tpu.memory_space<semaphore_mem>>) {add = true}
        %dma_wait3A_34 = arith.constant 0 : i32
        %dma_wait3A_35 = arith.constant 0 : i32
        %dma_wait3A_36 = tpu.memref_slice %arg10[%dma_wait3A_34, %dma_wait3A_35] : memref<10240x128xf32, #tpu.memory_space<vmem_shared>> -> memref<10240x128xf32, #tpu.memory_space<vmem_shared>>
        tpu.wait_indirect_dma semaphore(%run_scoped3A : memref<!tpu.dma_semaphore, #tpu.memory_space<semaphore_mem>>) src(%arg9 : memref<128x128xf32, #tpu.memory_space<vmem>>) dst(%dma_wait3A_36 : memref<10240x128xf32, #tpu.memory_space<vmem_shared>>)
        tpu.yield
      }) : () -> ()
    }
    %barrier3A_16 = arith.constant 0 : index
    tpu.barrier barrier_id(%barrier3A_16)
    %mul3A_17 = arith.constant 640 : i32
    %mul3A_18 = arith.muli %arg1, %mul3A_17 : i32
    %mul3A_19 = arith.constant 640 : i32
    %mul3A_20 = arith.muli %arg1, %mul3A_19 : i32
    "tpu.region"() ({
      %run_scoped3A = tpu.sem_alloc : memref<!tpu.dma_semaphore, #tpu.memory_space<semaphore_mem>>
      %dma_start3A = arith.constant 0 : i32
      %dma_start3A_21 = tpu.memref_slice %arg6[%arg0, %mul3A_20, %dma_start3A] : memref<2x10240x128xf32, #tpu.memory_space<hbm>> -> memref<1x640x128xf32, #tpu.memory_space<hbm>>
      %dma_start3A_22 = tpu.memref_squeeze %dma_start3A_21 : memref<1x640x128xf32, #tpu.memory_space<hbm>> -> memref<640x128xf32, #tpu.memory_space<hbm>>
      %dma_start3A_23 = arith.constant 0 : i32
      %dma_start3A_24 = tpu.memref_slice %arg10[%mul3A_18, %dma_start3A_23] : memref<10240x128xf32, #tpu.memory_space<vmem_shared>> -> memref<640x128xf32, #tpu.memory_space<vmem_shared>>
      tpu.enqueue_dma source(%dma_start3A_24 : memref<640x128xf32, #tpu.memory_space<vmem_shared>>) target(%dma_start3A_22 : memref<640x128xf32, #tpu.memory_space<hbm>>) target_semaphore(%run_scoped3A : memref<!tpu.dma_semaphore, #tpu.memory_space<semaphore_mem>>)
      %dma_wait3A = arith.constant 0 : i32
      %dma_wait3A_25 = tpu.memref_slice %arg6[%arg0, %mul3A_20, %dma_wait3A] : memref<2x10240x128xf32, #tpu.memory_space<hbm>> -> memref<1x640x128xf32, #tpu.memory_space<hbm>>
      %dma_wait3A_26 = tpu.memref_squeeze %dma_wait3A_25 : memref<1x640x128xf32, #tpu.memory_space<hbm>> -> memref<640x128xf32, #tpu.memory_space<hbm>>
      %dma_wait3A_27 = arith.constant 0 : i32
      %dma_wait3A_28 = tpu.memref_slice %arg10[%mul3A_18, %dma_wait3A_27] : memref<10240x128xf32, #tpu.memory_space<vmem_shared>> -> memref<640x128xf32, #tpu.memory_space<vmem_shared>>
      tpu.wait_dma2 semaphore(%run_scoped3A : memref<!tpu.dma_semaphore, #tpu.memory_space<semaphore_mem>>) src(%dma_wait3A_28 : memref<640x128xf32, #tpu.memory_space<vmem_shared>>) dst(%dma_wait3A_26 : memref<640x128xf32, #tpu.memory_space<hbm>>)
      tpu.yield
    }) : () -> ()
    return
  }
}

#map = affine_map<(d0, d1) -> (0, 0)>
#map1 = affine_map<(d0, d1) -> (0)>
#map2 = affine_map<(d0, d1) -> (0, 0, 0)>
module attributes {stable_mosaic.version = 14 : i64} {
  func.func @_scatter_kernel(%arg0: i32, %arg1: i32, %arg2: memref<10000x128xf32, #tpu.memory_space<hbm>>, %arg3: memref<320000xi32, #tpu.memory_space<hbm>>, %arg4: memref<320000xi32, #tpu.memory_space<hbm>>, %arg5: memref<640x128xf32, #tpu.memory_space<hbm>>, %arg6: memref<2x10240x128xf32, #tpu.memory_space<hbm>>, %arg7: memref<128xi32, #tpu.memory_space<vmem>>, %arg8: memref<128xi32, #tpu.memory_space<vmem>>, %arg9: memref<128x128xf32, #tpu.memory_space<vmem>>, %arg10: memref<10240x128xf32, #tpu.memory_space<vmem_shared>>, %arg11: memref<!tpu.dma_semaphore, #tpu.memory_space<semaphore_mem>>) attributes {dimension_semantics = [#tpu.dimension_semantics<core_parallel>, #tpu.dimension_semantics<subcore_parallel>], iteration_bounds = array<i64: 2, 16>, scalar_prefetch = 0 : i64, scratch_operands = 5 : i64, tpu.core_type = #tpu.core_type<sc_vector_subcore>, window_params = [{transform_indices = #map}, {transform_indices = #map1}, {transform_indices = #map1}, {transform_indices = #map}, {transform_indices = #map2}]} {
    %mul3A = arith.constant 2 : i32
    %mul3A_0 = arith.muli %arg1, %mul3A : i32
    %add3A = arith.addi %mul3A_0, %arg0 : i32
    %mul3A_1 = arith.constant 640 : i32
    %mul3A_2 = arith.muli %arg1, %mul3A_1 : i32
    "tpu.region"() ({
      %run_scoped3A = tpu.sem_alloc : memref<!tpu.dma_semaphore, #tpu.memory_space<semaphore_mem>>
      %dma_start3A = arith.constant 0 : i32
      %dma_start3A_21 = tpu.memref_slice %arg10[%mul3A_2, %dma_start3A] : memref<10240x128xf32, #tpu.memory_space<vmem_shared>> -> memref<640x128xf32, #tpu.memory_space<vmem_shared>>
      tpu.enqueue_dma source(%arg5 : memref<640x128xf32, #tpu.memory_space<hbm>>) target(%dma_start3A_21 : memref<640x128xf32, #tpu.memory_space<vmem_shared>>) target_semaphore(%run_scoped3A : memref<!tpu.dma_semaphore, #tpu.memory_space<semaphore_mem>>)
      %dma_wait3A = arith.constant 0 : i32
      %dma_wait3A_22 = tpu.memref_slice %arg10[%mul3A_2, %dma_wait3A] : memref<10240x128xf32, #tpu.memory_space<vmem_shared>> -> memref<640x128xf32, #tpu.memory_space<vmem_shared>>
      tpu.wait_dma2 semaphore(%run_scoped3A : memref<!tpu.dma_semaphore, #tpu.memory_space<semaphore_mem>>) src(%arg5 : memref<640x128xf32, #tpu.memory_space<hbm>>) dst(%dma_wait3A_22 : memref<640x128xf32, #tpu.memory_space<vmem_shared>>)
      tpu.yield
    }) : () -> ()
    %barrier3A = arith.constant 0 : index
    tpu.barrier barrier_id(%barrier3A)
    %lt3A = arith.constant 4 : i32
    %lt3A_3 = arith.cmpi slt, %add3A, %lt3A : i32
    %jit3A = arith.constant 1 : i32
    %jit3A_4 = arith.constant 0 : i32
    %select_n3A = arith.select %lt3A_3, %jit3A, %jit3A_4 : i32
    %add3A_5 = arith.constant 78 : i32
    %add3A_6 = arith.addi %add3A_5, %select_n3A : i32
    %while3A = arith.constant 0 : i32
    %while3A_7 = arith.constant 0 : i32
    %while3A_8 = arith.subi %add3A_6, %while3A_7 : i32
    %while3A_9 = arith.addi %while3A_7, %while3A_8 : i32
    %while3A_10 = arith.constant 1 : i32
    %while3A_11 = arith.divsi %while3A_8, %while3A_10 : i32
    %while3A_12 = arith.muli %while3A_11, %while3A_10 : i32
    %while3A_13 = arith.addi %while3A_7, %while3A_12 : i32
    %while3A_14 = arith.constant 1 : i32
    scf.for %while3A_21 = %while3A_7 to %while3A_13 step %while3A_14  : i32 {
      %mul3A_22 = arith.constant 32 : i32
      %mul3A_23 = arith.muli %while3A_21, %mul3A_22 : i32
      %add3A_24 = arith.addi %add3A, %mul3A_23 : i32
      %mul3A_25 = arith.constant 128 : i32
      %mul3A_26 = arith.muli %add3A_24, %mul3A_25 : i32
      "tpu.region"() ({
        %run_scoped3A = tpu.sem_alloc : memref<!tpu.dma_semaphore, #tpu.memory_space<semaphore_mem>>
        %dma_start3A_31 = tpu.memref_slice %arg3[%mul3A_26] : memref<320000xi32, #tpu.memory_space<hbm>> -> memref<128xi32, #tpu.memory_space<hbm>>
        %dma_start3A_32 = tpu.memref_slice %arg3[%mul3A_26] : memref<320000xi32, #tpu.memory_space<hbm>> -> memref<128xi32, #tpu.memory_space<hbm>>
        tpu.enqueue_dma source(%dma_start3A_32 : memref<128xi32, #tpu.memory_space<hbm>>) target(%arg7 : memref<128xi32, #tpu.memory_space<vmem>>) target_semaphore(%run_scoped3A : memref<!tpu.dma_semaphore, #tpu.memory_space<semaphore_mem>>)
        %dma_wait3A_33 = tpu.memref_slice %arg3[%mul3A_26] : memref<320000xi32, #tpu.memory_space<hbm>> -> memref<128xi32, #tpu.memory_space<hbm>>
        %dma_wait3A_34 = tpu.memref_slice %arg3[%mul3A_26] : memref<320000xi32, #tpu.memory_space<hbm>> -> memref<128xi32, #tpu.memory_space<hbm>>
        tpu.wait_dma2 semaphore(%run_scoped3A : memref<!tpu.dma_semaphore, #tpu.memory_space<semaphore_mem>>) src(%dma_wait3A_34 : memref<128xi32, #tpu.memory_space<hbm>>) dst(%arg7 : memref<128xi32, #tpu.memory_space<vmem>>)
        tpu.yield
      }) : () -> ()
      "tpu.region"() ({
        %run_scoped3A = tpu.sem_alloc : memref<!tpu.dma_semaphore, #tpu.memory_space<semaphore_mem>>
        %dma_start3A_31 = tpu.memref_slice %arg4[%mul3A_26] : memref<320000xi32, #tpu.memory_space<hbm>> -> memref<128xi32, #tpu.memory_space<hbm>>
        %dma_start3A_32 = tpu.memref_slice %arg4[%mul3A_26] : memref<320000xi32, #tpu.memory_space<hbm>> -> memref<128xi32, #tpu.memory_space<hbm>>
        tpu.enqueue_dma source(%dma_start3A_32 : memref<128xi32, #tpu.memory_space<hbm>>) target(%arg8 : memref<128xi32, #tpu.memory_space<vmem>>) target_semaphore(%run_scoped3A : memref<!tpu.dma_semaphore, #tpu.memory_space<semaphore_mem>>)
        %dma_wait3A_33 = tpu.memref_slice %arg4[%mul3A_26] : memref<320000xi32, #tpu.memory_space<hbm>> -> memref<128xi32, #tpu.memory_space<hbm>>
        %dma_wait3A_34 = tpu.memref_slice %arg4[%mul3A_26] : memref<320000xi32, #tpu.memory_space<hbm>> -> memref<128xi32, #tpu.memory_space<hbm>>
        tpu.wait_dma2 semaphore(%run_scoped3A : memref<!tpu.dma_semaphore, #tpu.memory_space<semaphore_mem>>) src(%dma_wait3A_34 : memref<128xi32, #tpu.memory_space<hbm>>) dst(%arg8 : memref<128xi32, #tpu.memory_space<vmem>>)
        tpu.yield
      }) : () -> ()
      %dma_start3A = arith.constant 0 : i32
      %dma_start3A_27 = arith.constant 0 : i32
      %dma_start3A_28 = tpu.memref_slice %arg2[%dma_start3A, %dma_start3A_27] : memref<10000x128xf32, #tpu.memory_space<hbm>> -> memref<10000x128xf32, #tpu.memory_space<hbm>>
      tpu.enqueue_indirect_dma source(%dma_start3A_28 : memref<10000x128xf32, #tpu.memory_space<hbm>>) target(%arg9 : memref<128x128xf32, #tpu.memory_space<vmem>>) offsets(%arg7 : memref<128xi32, #tpu.memory_space<vmem>>) semaphore(%arg11 : memref<!tpu.dma_semaphore, #tpu.memory_space<semaphore_mem>>)
      %dma_wait3A = arith.constant 0 : i32
      %dma_wait3A_29 = arith.constant 0 : i32
      %dma_wait3A_30 = tpu.memref_slice %arg2[%dma_wait3A, %dma_wait3A_29] : memref<10000x128xf32, #tpu.memory_space<hbm>> -> memref<10000x128xf32, #tpu.memory_space<hbm>>
      tpu.wait_indirect_dma semaphore(%arg11 : memref<!tpu.dma_semaphore, #tpu.memory_space<semaphore_mem>>) src(%dma_wait3A_30 : memref<10000x128xf32, #tpu.memory_space<hbm>>) dst(%arg9 : memref<128x128xf32, #tpu.memory_space<vmem>>)
      "tpu.region"() ({
        %run_scoped3A = tpu.sem_alloc : memref<!tpu.dma_semaphore, #tpu.memory_space<semaphore_mem>>
        %dma_start3A_31 = arith.constant 0 : i32
        %dma_start3A_32 = arith.constant 0 : i32
        %dma_start3A_33 = tpu.memref_slice %arg10[%dma_start3A_31, %dma_start3A_32] : memref<10240x128xf32, #tpu.memory_space<vmem_shared>> -> memref<10240x128xf32, #tpu.memory_space<vmem_shared>>
        tpu.enqueue_indirect_dma source(%arg9 : memref<128x128xf32, #tpu.memory_space<vmem>>) target(%dma_start3A_33 : memref<10240x128xf32, #tpu.memory_space<vmem_shared>>) offsets(%arg8 : memref<128xi32, #tpu.memory_space<vmem>>) semaphore(%run_scoped3A : memref<!tpu.dma_semaphore, #tpu.memory_space<semaphore_mem>>) {add = true}
        %dma_wait3A_34 = arith.constant 0 : i32
        %dma_wait3A_35 = arith.constant 0 : i32
        %dma_wait3A_36 = tpu.memref_slice %arg10[%dma_wait3A_34, %dma_wait3A_35] : memref<10240x128xf32, #tpu.memory_space<vmem_shared>> -> memref<10240x128xf32, #tpu.memory_space<vmem_shared>>
        tpu.wait_indirect_dma semaphore(%run_scoped3A : memref<!tpu.dma_semaphore, #tpu.memory_space<semaphore_mem>>) src(%arg9 : memref<128x128xf32, #tpu.memory_space<vmem>>) dst(%dma_wait3A_36 : memref<10240x128xf32, #tpu.memory_space<vmem_shared>>)
        tpu.yield
      }) : () -> ()
    }
    %while3A_15 = arith.constant 1 : i32
    scf.for %while3A_21 = %while3A_13 to %while3A_9 step %while3A_15  : i32 {
      %mul3A_22 = arith.constant 32 : i32
      %mul3A_23 = arith.muli %while3A_21, %mul3A_22 : i32
      %add3A_24 = arith.addi %add3A, %mul3A_23 : i32
      %mul3A_25 = arith.constant 128 : i32
      %mul3A_26 = arith.muli %add3A_24, %mul3A_25 : i32
      "tpu.region"() ({
        %run_scoped3A = tpu.sem_alloc : memref<!tpu.dma_semaphore, #tpu.memory_space<semaphore_mem>>
        %dma_start3A_31 = tpu.memref_slice %arg3[%mul3A_26] : memref<320000xi32, #tpu.memory_space<hbm>> -> memref<128xi32, #tpu.memory_space<hbm>>
        %dma_start3A_32 = tpu.memref_slice %arg3[%mul3A_26] : memref<320000xi32, #tpu.memory_space<hbm>> -> memref<128xi32, #tpu.memory_space<hbm>>
        tpu.enqueue_dma source(%dma_start3A_32 : memref<128xi32, #tpu.memory_space<hbm>>) target(%arg7 : memref<128xi32, #tpu.memory_space<vmem>>) target_semaphore(%run_scoped3A : memref<!tpu.dma_semaphore, #tpu.memory_space<semaphore_mem>>)
        %dma_wait3A_33 = tpu.memref_slice %arg3[%mul3A_26] : memref<320000xi32, #tpu.memory_space<hbm>> -> memref<128xi32, #tpu.memory_space<hbm>>
        %dma_wait3A_34 = tpu.memref_slice %arg3[%mul3A_26] : memref<320000xi32, #tpu.memory_space<hbm>> -> memref<128xi32, #tpu.memory_space<hbm>>
        tpu.wait_dma2 semaphore(%run_scoped3A : memref<!tpu.dma_semaphore, #tpu.memory_space<semaphore_mem>>) src(%dma_wait3A_34 : memref<128xi32, #tpu.memory_space<hbm>>) dst(%arg7 : memref<128xi32, #tpu.memory_space<vmem>>)
        tpu.yield
      }) : () -> ()
      "tpu.region"() ({
        %run_scoped3A = tpu.sem_alloc : memref<!tpu.dma_semaphore, #tpu.memory_space<semaphore_mem>>
        %dma_start3A_31 = tpu.memref_slice %arg4[%mul3A_26] : memref<320000xi32, #tpu.memory_space<hbm>> -> memref<128xi32, #tpu.memory_space<hbm>>
        %dma_start3A_32 = tpu.memref_slice %arg4[%mul3A_26] : memref<320000xi32, #tpu.memory_space<hbm>> -> memref<128xi32, #tpu.memory_space<hbm>>
        tpu.enqueue_dma source(%dma_start3A_32 : memref<128xi32, #tpu.memory_space<hbm>>) target(%arg8 : memref<128xi32, #tpu.memory_space<vmem>>) target_semaphore(%run_scoped3A : memref<!tpu.dma_semaphore, #tpu.memory_space<semaphore_mem>>)
        %dma_wait3A_33 = tpu.memref_slice %arg4[%mul3A_26] : memref<320000xi32, #tpu.memory_space<hbm>> -> memref<128xi32, #tpu.memory_space<hbm>>
        %dma_wait3A_34 = tpu.memref_slice %arg4[%mul3A_26] : memref<320000xi32, #tpu.memory_space<hbm>> -> memref<128xi32, #tpu.memory_space<hbm>>
        tpu.wait_dma2 semaphore(%run_scoped3A : memref<!tpu.dma_semaphore, #tpu.memory_space<semaphore_mem>>) src(%dma_wait3A_34 : memref<128xi32, #tpu.memory_space<hbm>>) dst(%arg8 : memref<128xi32, #tpu.memory_space<vmem>>)
        tpu.yield
      }) : () -> ()
      %dma_start3A = arith.constant 0 : i32
      %dma_start3A_27 = arith.constant 0 : i32
      %dma_start3A_28 = tpu.memref_slice %arg2[%dma_start3A, %dma_start3A_27] : memref<10000x128xf32, #tpu.memory_space<hbm>> -> memref<10000x128xf32, #tpu.memory_space<hbm>>
      tpu.enqueue_indirect_dma source(%dma_start3A_28 : memref<10000x128xf32, #tpu.memory_space<hbm>>) target(%arg9 : memref<128x128xf32, #tpu.memory_space<vmem>>) offsets(%arg7 : memref<128xi32, #tpu.memory_space<vmem>>) semaphore(%arg11 : memref<!tpu.dma_semaphore, #tpu.memory_space<semaphore_mem>>)
      %dma_wait3A = arith.constant 0 : i32
      %dma_wait3A_29 = arith.constant 0 : i32
      %dma_wait3A_30 = tpu.memref_slice %arg2[%dma_wait3A, %dma_wait3A_29] : memref<10000x128xf32, #tpu.memory_space<hbm>> -> memref<10000x128xf32, #tpu.memory_space<hbm>>
      tpu.wait_indirect_dma semaphore(%arg11 : memref<!tpu.dma_semaphore, #tpu.memory_space<semaphore_mem>>) src(%dma_wait3A_30 : memref<10000x128xf32, #tpu.memory_space<hbm>>) dst(%arg9 : memref<128x128xf32, #tpu.memory_space<vmem>>)
      "tpu.region"() ({
        %run_scoped3A = tpu.sem_alloc : memref<!tpu.dma_semaphore, #tpu.memory_space<semaphore_mem>>
        %dma_start3A_31 = arith.constant 0 : i32
        %dma_start3A_32 = arith.constant 0 : i32
        %dma_start3A_33 = tpu.memref_slice %arg10[%dma_start3A_31, %dma_start3A_32] : memref<10240x128xf32, #tpu.memory_space<vmem_shared>> -> memref<10240x128xf32, #tpu.memory_space<vmem_shared>>
        tpu.enqueue_indirect_dma source(%arg9 : memref<128x128xf32, #tpu.memory_space<vmem>>) target(%dma_start3A_33 : memref<10240x128xf32, #tpu.memory_space<vmem_shared>>) offsets(%arg8 : memref<128xi32, #tpu.memory_space<vmem>>) semaphore(%run_scoped3A : memref<!tpu.dma_semaphore, #tpu.memory_space<semaphore_mem>>) {add = true}
        %dma_wait3A_34 = arith.constant 0 : i32
        %dma_wait3A_35 = arith.constant 0 : i32
        %dma_wait3A_36 = tpu.memref_slice %arg10[%dma_wait3A_34, %dma_wait3A_35] : memref<10240x128xf32, #tpu.memory_space<vmem_shared>> -> memref<10240x128xf32, #tpu.memory_space<vmem_shared>>
        tpu.wait_indirect_dma semaphore(%run_scoped3A : memref<!tpu.dma_semaphore, #tpu.memory_space<semaphore_mem>>) src(%arg9 : memref<128x128xf32, #tpu.memory_space<vmem>>) dst(%dma_wait3A_36 : memref<10240x128xf32, #tpu.memory_space<vmem_shared>>)
        tpu.yield
      }) : () -> ()
    }
    %barrier3A_16 = arith.constant 0 : index
    tpu.barrier barrier_id(%barrier3A_16)
    %mul3A_17 = arith.constant 640 : i32
    %mul3A_18 = arith.muli %arg1, %mul3A_17 : i32
    %mul3A_19 = arith.constant 640 : i32
    %mul3A_20 = arith.muli %arg1, %mul3A_19 : i32
    "tpu.region"() ({
      %run_scoped3A = tpu.sem_alloc : memref<!tpu.dma_semaphore, #tpu.memory_space<semaphore_mem>>
      %dma_start3A = arith.constant 0 : i32
      %dma_start3A_21 = tpu.memref_slice %arg6[%arg0, %mul3A_20, %dma_start3A] : memref<2x10240x128xf32, #tpu.memory_space<hbm>> -> memref<1x640x128xf32, #tpu.memory_space<hbm>>
      %dma_start3A_22 = tpu.memref_squeeze %dma_start3A_21 : memref<1x640x128xf32, #tpu.memory_space<hbm>> -> memref<640x128xf32, #tpu.memory_space<hbm>>
      %dma_start3A_23 = arith.constant 0 : i32
      %dma_start3A_24 = tpu.memref_slice %arg10[%mul3A_18, %dma_start3A_23] : memref<10240x128xf32, #tpu.memory_space<vmem_shared>> -> memref<640x128xf32, #tpu.memory_space<vmem_shared>>
      tpu.enqueue_dma source(%dma_start3A_24 : memref<640x128xf32, #tpu.memory_space<vmem_shared>>) target(%dma_start3A_22 : memref<640x128xf32, #tpu.memory_space<hbm>>) target_semaphore(%run_scoped3A : memref<!tpu.dma_semaphore, #tpu.memory_space<semaphore_mem>>)
      %dma_wait3A = arith.constant 0 : i32
      %dma_wait3A_25 = tpu.memref_slice %arg6[%arg0, %mul3A_20, %dma_wait3A] : memref<2x10240x128xf32, #tpu.memory_space<hbm>> -> memref<1x640x128xf32, #tpu.memory_space<hbm>>
      %dma_wait3A_26 = tpu.memref_squeeze %dma_wait3A_25 : memref<1x640x128xf32, #tpu.memory_space<hbm>> -> memref<640x128xf32, #tpu.memory_space<hbm>>
      %dma_wait3A_27 = arith.constant 0 : i32
      %dma_wait3A_28 = tpu.memref_slice %arg10[%mul3A_18, %dma_wait3A_27] : memref<10240x128xf32, #tpu.memory_space<vmem_shared>> -> memref<640x128xf32, #tpu.memory_space<vmem_shared>>
      tpu.wait_dma2 semaphore(%run_scoped3A : memref<!tpu.dma_semaphore, #tpu.memory_space<semaphore_mem>>) src(%dma_wait3A_28 : memref<640x128xf32, #tpu.memory_space<vmem_shared>>) dst(%dma_wait3A_26 : memref<640x128xf32, #tpu.memory_space<hbm>>)
      tpu.yield
    }) : () -> ()
    return
  }
}

module attributes {stable_mosaic.version = 14 : i64} {
  func.func @_tc_mid_body(%arg0: i32, %arg1: memref<2x2000x128xf32, #tpu.memory_space<vmem>>, %arg2: memref<2000x128xf32, #tpu.memory_space<vmem>>, %arg3: memref<2x2000x128xf32, #tpu.memory_space<vmem>>, %arg4: memref<128x128xf32, #tpu.memory_space<vmem>>, %arg5: memref<1x128xf32, #tpu.memory_space<vmem>>, %arg6: memref<2000x128xf32, #tpu.memory_space<vmem>>, %arg7: memref<2000x128xf32, #tpu.memory_space<vmem>>) attributes {dimension_semantics = [#tpu.dimension_semantics<arbitrary>], iteration_bounds = array<i64: 5>, scalar_prefetch = 0 : i64, scratch_operands = 0 : i64, tpu.core_type = #tpu.core_type<tc>, window_params = [{transform_indices = @transform_0, window_bounds = array<i64: 2, 2000, 128>}, {transform_indices = @transform_1, window_bounds = array<i64: 2000, 128>}, {transform_indices = @transform_2, window_bounds = array<i64: 2, 2000, 128>}, {pipeline_mode = #tpu.pipeline_mode<synchronous>, transform_indices = @transform_3, window_bounds = array<i64: 128, 128>}, {pipeline_mode = #tpu.pipeline_mode<synchronous>, transform_indices = @transform_4, window_bounds = array<i64: 1, 128>}, {transform_indices = @transform_5, window_bounds = array<i64: 2000, 128>}, {transform_indices = @transform_6, window_bounds = array<i64: 2000, 128>}]} {
    %get3A = arith.constant 0 : index
    %get3A_0 = arith.constant 0 : index
    %get3A_1 = arith.constant 0 : index
    %get3A_2 = vector.load %arg3[%get3A, %get3A_0, %get3A_1] : memref<2x2000x128xf32, #tpu.memory_space<vmem>>, vector<1x2000x1xf32>
    %get3A_3 = vector.shape_cast %get3A_2 : vector<1x2000x1xf32> to vector<2000x1xf32>
    %get3A_4 = arith.constant 1 : index
    %get3A_5 = arith.constant 0 : index
    %get3A_6 = arith.constant 0 : index
    %get3A_7 = vector.load %arg3[%get3A_4, %get3A_5, %get3A_6] : memref<2x2000x128xf32, #tpu.memory_space<vmem>>, vector<1x2000x1xf32>
    %get3A_8 = vector.shape_cast %get3A_7 : vector<1x2000x1xf32> to vector<2000x1xf32>
    %add3A = arith.addf %get3A_3, %get3A_8 : vector<2000x1xf32>
    %add3A_9 = arith.constant 1.000000e+00 : f32
    %add3A_10 = vector.broadcast %add3A_9 : f32 to vector<2000x1xf32>
    %add3A_11 = arith.addf %add3A, %add3A_10 : vector<2000x1xf32>
    %rsqrt3A = math.rsqrt %add3A_11 : vector<2000x1xf32>
    %get3A_12 = arith.constant 0 : index
    %get3A_13 = arith.constant 0 : index
    %get3A_14 = arith.constant 0 : index
    %get3A_15 = vector.load %arg1[%get3A_12, %get3A_13, %get3A_14] : memref<2x2000x128xf32, #tpu.memory_space<vmem>>, vector<1x2000x128xf32>
    %get3A_16 = vector.shape_cast %get3A_15 : vector<1x2000x128xf32> to vector<2000x128xf32>
    %get3A_17 = arith.constant 1 : index
    %get3A_18 = arith.constant 0 : index
    %get3A_19 = arith.constant 0 : index
    %get3A_20 = vector.load %arg1[%get3A_17, %get3A_18, %get3A_19] : memref<2x2000x128xf32, #tpu.memory_space<vmem>>, vector<1x2000x128xf32>
    %get3A_21 = vector.shape_cast %get3A_20 : vector<1x2000x128xf32> to vector<2000x128xf32>
    %add3A_22 = arith.addf %get3A_16, %get3A_21 : vector<2000x128xf32>
    %get3A_23 = arith.constant 0 : index
    %get3A_24 = arith.constant 0 : index
    %get3A_25 = vector.load %arg2[%get3A_23, %get3A_24] : memref<2000x128xf32, #tpu.memory_space<vmem>>, vector<2000x128xf32>
    %add3A_26 = arith.addf %add3A_22, %get3A_25 : vector<2000x128xf32>
    %mul3A = vector.broadcast %rsqrt3A : vector<2000x1xf32> to vector<2000x128xf32>
    %mul3A_27 = arith.mulf %add3A_26, %mul3A : vector<2000x128xf32>
    %get3A_28 = arith.constant 0 : index
    %get3A_29 = arith.constant 0 : index
    %get3A_30 = vector.load %arg4[%get3A_28, %get3A_29] : memref<128x128xf32, #tpu.memory_space<vmem>>, vector<128x128xf32>
    %dot_general3A = arith.constant dense<0.000000e+00> : vector<2000x128xf32>
    %dot_general3A_31 = tpu.matmul %mul3A_27, %get3A_30, %dot_general3A {dimension_numbers = #tpu.dot_dimension_numbers<[1], [0], [0], [1], [0, 0, 1, 1], [], []>, transpose_lhs_hint = false} : vector<2000x128xf32>, vector<128x128xf32>, vector<2000x128xf32> -> vector<2000x128xf32>
    %get3A_32 = arith.constant 0 : index
    %get3A_33 = arith.constant 0 : index
    %get3A_34 = vector.load %arg5[%get3A_32, %get3A_33] : memref<1x128xf32, #tpu.memory_space<vmem>>, vector<1x128xf32>
    %add3A_35 = vector.broadcast %get3A_34 : vector<1x128xf32> to vector<2000x128xf32>
    %add3A_36 = arith.addf %dot_general3A_31, %add3A_35 : vector<2000x128xf32>
    %swap3A = arith.constant 0 : index
    %swap3A_37 = arith.constant 0 : index
    %swap3A_38 = vector.load %arg6[%swap3A, %swap3A_37] : memref<2000x128xf32, #tpu.memory_space<vmem>>, vector<2000x128xf32>
    tpu.vector_store %arg6[%swap3A, %swap3A_37], %add3A_36 {strides = array<i32>} : memref<2000x128xf32, #tpu.memory_space<vmem>>, vector<2000x128xf32>,
    %mul3A_39 = vector.broadcast %rsqrt3A : vector<2000x1xf32> to vector<2000x128xf32>
    %mul3A_40 = arith.mulf %mul3A_27, %mul3A_39 : vector<2000x128xf32>
    %swap3A_41 = arith.constant 0 : index
    %swap3A_42 = arith.constant 0 : index
    %swap3A_43 = vector.load %arg7[%swap3A_41, %swap3A_42] : memref<2000x128xf32, #tpu.memory_space<vmem>>, vector<2000x128xf32>
    tpu.vector_store %arg7[%swap3A_41, %swap3A_42], %mul3A_40 {strides = array<i32>} : memref<2000x128xf32, #tpu.memory_space<vmem>>, vector<2000x128xf32>,
    return
  }
  func.func @transform_0(%arg0: i32) -> (i32, i32, i32) {
    %c0_i32 = arith.constant 0 : i32
    %c0_i32_0 = arith.constant 0 : i32
    %c0_i32_1 = arith.constant 0 : i32
    return %c0_i32, %arg0, %c0_i32_0 : i32, i32, i32
  }
  func.func @transform_1(%arg0: i32) -> (i32, i32) {
    %c0_i32 = arith.constant 0 : i32
    %c0_i32_0 = arith.constant 0 : i32
    return %arg0, %c0_i32 : i32, i32
  }
  func.func @transform_2(%arg0: i32) -> (i32, i32, i32) {
    %c0_i32 = arith.constant 0 : i32
    %c0_i32_0 = arith.constant 0 : i32
    %c0_i32_1 = arith.constant 0 : i32
    return %c0_i32, %arg0, %c0_i32_0 : i32, i32, i32
  }
  func.func @transform_3(%arg0: i32) -> (i32, i32) {
    %c0_i32 = arith.constant 0 : i32
    %c0_i32_0 = arith.constant 0 : i32
    %c0_i32_1 = arith.constant 0 : i32
    return %c0_i32, %c0_i32_0 : i32, i32
  }
  func.func @transform_4(%arg0: i32) -> (i32, i32) {
    %c0_i32 = arith.constant 0 : i32
    %c0_i32_0 = arith.constant 0 : i32
    %c0_i32_1 = arith.constant 0 : i32
    return %c0_i32, %c0_i32_0 : i32, i32
  }
  func.func @transform_5(%arg0: i32) -> (i32, i32) {
    %c0_i32 = arith.constant 0 : i32
    %c0_i32_0 = arith.constant 0 : i32
    return %arg0, %c0_i32 : i32, i32
  }
  func.func @transform_6(%arg0: i32) -> (i32, i32) {
    %c0_i32 = arith.constant 0 : i32
    %c0_i32_0 = arith.constant 0 : i32
    return %arg0, %c0_i32 : i32, i32
  }
}

module attributes {stable_mosaic.version = 14 : i64} {
  func.func @_tc_last_body(%arg0: i32, %arg1: memref<2x2000x128xf32, #tpu.memory_space<vmem>>, %arg2: memref<2000x128xf32, #tpu.memory_space<vmem>>, %arg3: memref<2x2000x128xf32, #tpu.memory_space<vmem>>, %arg4: memref<128x128xf32, #tpu.memory_space<vmem>>, %arg5: memref<1x128xf32, #tpu.memory_space<vmem>>, %arg6: memref<2000x128xf32, #tpu.memory_space<vmem>>) attributes {dimension_semantics = [#tpu.dimension_semantics<arbitrary>], iteration_bounds = array<i64: 5>, scalar_prefetch = 0 : i64, scratch_operands = 0 : i64, tpu.core_type = #tpu.core_type<tc>, window_params = [{transform_indices = @transform_0, window_bounds = array<i64: 2, 2000, 128>}, {transform_indices = @transform_1, window_bounds = array<i64: 2000, 128>}, {transform_indices = @transform_2, window_bounds = array<i64: 2, 2000, 128>}, {pipeline_mode = #tpu.pipeline_mode<synchronous>, transform_indices = @transform_3, window_bounds = array<i64: 128, 128>}, {pipeline_mode = #tpu.pipeline_mode<synchronous>, transform_indices = @transform_4, window_bounds = array<i64: 1, 128>}, {transform_indices = @transform_5, window_bounds = array<i64: 2000, 128>}]} {
    %get3A = arith.constant 0 : index
    %get3A_0 = arith.constant 0 : index
    %get3A_1 = arith.constant 0 : index
    %get3A_2 = vector.load %arg3[%get3A, %get3A_0, %get3A_1] : memref<2x2000x128xf32, #tpu.memory_space<vmem>>, vector<1x2000x1xf32>
    %get3A_3 = vector.shape_cast %get3A_2 : vector<1x2000x1xf32> to vector<2000x1xf32>
    %get3A_4 = arith.constant 1 : index
    %get3A_5 = arith.constant 0 : index
    %get3A_6 = arith.constant 0 : index
    %get3A_7 = vector.load %arg3[%get3A_4, %get3A_5, %get3A_6] : memref<2x2000x128xf32, #tpu.memory_space<vmem>>, vector<1x2000x1xf32>
    %get3A_8 = vector.shape_cast %get3A_7 : vector<1x2000x1xf32> to vector<2000x1xf32>
    %add3A = arith.addf %get3A_3, %get3A_8 : vector<2000x1xf32>
    %add3A_9 = arith.constant 1.000000e+00 : f32
    %add3A_10 = vector.broadcast %add3A_9 : f32 to vector<2000x1xf32>
    %add3A_11 = arith.addf %add3A, %add3A_10 : vector<2000x1xf32>
    %rsqrt3A = math.rsqrt %add3A_11 : vector<2000x1xf32>
    %get3A_12 = arith.constant 0 : index
    %get3A_13 = arith.constant 0 : index
    %get3A_14 = arith.constant 0 : index
    %get3A_15 = vector.load %arg1[%get3A_12, %get3A_13, %get3A_14] : memref<2x2000x128xf32, #tpu.memory_space<vmem>>, vector<1x2000x128xf32>
    %get3A_16 = vector.shape_cast %get3A_15 : vector<1x2000x128xf32> to vector<2000x128xf32>
    %get3A_17 = arith.constant 1 : index
    %get3A_18 = arith.constant 0 : index
    %get3A_19 = arith.constant 0 : index
    %get3A_20 = vector.load %arg1[%get3A_17, %get3A_18, %get3A_19] : memref<2x2000x128xf32, #tpu.memory_space<vmem>>, vector<1x2000x128xf32>
    %get3A_21 = vector.shape_cast %get3A_20 : vector<1x2000x128xf32> to vector<2000x128xf32>
    %add3A_22 = arith.addf %get3A_16, %get3A_21 : vector<2000x128xf32>
    %get3A_23 = arith.constant 0 : index
    %get3A_24 = arith.constant 0 : index
    %get3A_25 = vector.load %arg2[%get3A_23, %get3A_24] : memref<2000x128xf32, #tpu.memory_space<vmem>>, vector<2000x128xf32>
    %add3A_26 = arith.addf %add3A_22, %get3A_25 : vector<2000x128xf32>
    %mul3A = vector.broadcast %rsqrt3A : vector<2000x1xf32> to vector<2000x128xf32>
    %mul3A_27 = arith.mulf %add3A_26, %mul3A : vector<2000x128xf32>
    %get3A_28 = arith.constant 0 : index
    %get3A_29 = arith.constant 0 : index
    %get3A_30 = vector.load %arg4[%get3A_28, %get3A_29] : memref<128x128xf32, #tpu.memory_space<vmem>>, vector<128x128xf32>
    %dot_general3A = arith.constant dense<0.000000e+00> : vector<2000x128xf32>
    %dot_general3A_31 = tpu.matmul %mul3A_27, %get3A_30, %dot_general3A {dimension_numbers = #tpu.dot_dimension_numbers<[1], [0], [0], [1], [0, 0, 1, 1], [], []>, transpose_lhs_hint = false} : vector<2000x128xf32>, vector<128x128xf32>, vector<2000x128xf32> -> vector<2000x128xf32>
    %get3A_32 = arith.constant 0 : index
    %get3A_33 = arith.constant 0 : index
    %get3A_34 = vector.load %arg5[%get3A_32, %get3A_33] : memref<1x128xf32, #tpu.memory_space<vmem>>, vector<1x128xf32>
    %add3A_35 = vector.broadcast %get3A_34 : vector<1x128xf32> to vector<2000x128xf32>
    %add3A_36 = arith.addf %dot_general3A_31, %add3A_35 : vector<2000x128xf32>
    %swap3A = arith.constant 0 : index
    %swap3A_37 = arith.constant 0 : index
    %swap3A_38 = vector.load %arg6[%swap3A, %swap3A_37] : memref<2000x128xf32, #tpu.memory_space<vmem>>, vector<2000x128xf32>
    tpu.vector_store %arg6[%swap3A, %swap3A_37], %add3A_36 {strides = array<i32>} : memref<2000x128xf32, #tpu.memory_space<vmem>>, vector<2000x128xf32>,
    return
  }
  func.func @transform_0(%arg0: i32) -> (i32, i32, i32) {
    %c0_i32 = arith.constant 0 : i32
    %c0_i32_0 = arith.constant 0 : i32
    %c0_i32_1 = arith.constant 0 : i32
    return %c0_i32, %arg0, %c0_i32_0 : i32, i32, i32
  }
  func.func @transform_1(%arg0: i32) -> (i32, i32) {
    %c0_i32 = arith.constant 0 : i32
    %c0_i32_0 = arith.constant 0 : i32
    return %arg0, %c0_i32 : i32, i32
  }
  func.func @transform_2(%arg0: i32) -> (i32, i32, i32) {
    %c0_i32 = arith.constant 0 : i32
    %c0_i32_0 = arith.constant 0 : i32
    %c0_i32_1 = arith.constant 0 : i32
    return %c0_i32, %arg0, %c0_i32_0 : i32, i32, i32
  }
  func.func @transform_3(%arg0: i32) -> (i32, i32) {
    %c0_i32 = arith.constant 0 : i32
    %c0_i32_0 = arith.constant 0 : i32
    %c0_i32_1 = arith.constant 0 : i32
    return %c0_i32, %c0_i32_0 : i32, i32
  }
  func.func @transform_4(%arg0: i32) -> (i32, i32) {
    %c0_i32 = arith.constant 0 : i32
    %c0_i32_0 = arith.constant 0 : i32
    %c0_i32_1 = arith.constant 0 : i32
    return %c0_i32, %c0_i32_0 : i32, i32
  }
  func.func @transform_5(%arg0: i32) -> (i32, i32) {
    %c0_i32 = arith.constant 0 : i32
    %c0_i32_0 = arith.constant 0 : i32
    return %arg0, %c0_i32 : i32, i32
  }
}

module attributes {stable_mosaic.version = 14 : i64} {
  func.func @_tc0_body(%arg0: i32, %arg1: memref<2000x128xf32, #tpu.memory_space<vmem>>, %arg2: memref<2x2000x128xf32, #tpu.memory_space<vmem>>, %arg3: memref<128x128xf32, #tpu.memory_space<vmem>>, %arg4: memref<1x128xf32, #tpu.memory_space<vmem>>, %arg5: memref<2000x128xf32, #tpu.memory_space<vmem>>, %arg6: memref<2000x128xf32, #tpu.memory_space<vmem>>) attributes {dimension_semantics = [#tpu.dimension_semantics<arbitrary>], iteration_bounds = array<i64: 5>, scalar_prefetch = 0 : i64, scratch_operands = 0 : i64, tpu.core_type = #tpu.core_type<tc>, window_params = [{transform_indices = @transform_0, window_bounds = array<i64: 2000, 128>}, {transform_indices = @transform_1, window_bounds = array<i64: 2, 2000, 128>}, {pipeline_mode = #tpu.pipeline_mode<synchronous>, transform_indices = @transform_2, window_bounds = array<i64: 128, 128>}, {pipeline_mode = #tpu.pipeline_mode<synchronous>, transform_indices = @transform_3, window_bounds = array<i64: 1, 128>}, {transform_indices = @transform_4, window_bounds = array<i64: 2000, 128>}, {transform_indices = @transform_5, window_bounds = array<i64: 2000, 128>}]} {
    %get3A = arith.constant 0 : index
    %get3A_0 = arith.constant 0 : index
    %get3A_1 = vector.load %arg1[%get3A, %get3A_0] : memref<2000x128xf32, #tpu.memory_space<vmem>>, vector<2000x128xf32>
    %get3A_2 = arith.constant 0 : index
    %get3A_3 = arith.constant 0 : index
    %get3A_4 = arith.constant 0 : index
    %get3A_5 = vector.load %arg2[%get3A_2, %get3A_3, %get3A_4] : memref<2x2000x128xf32, #tpu.memory_space<vmem>>, vector<1x2000x1xf32>
    %get3A_6 = vector.shape_cast %get3A_5 : vector<1x2000x1xf32> to vector<2000x1xf32>
    %get3A_7 = arith.constant 1 : index
    %get3A_8 = arith.constant 0 : index
    %get3A_9 = arith.constant 0 : index
    %get3A_10 = vector.load %arg2[%get3A_7, %get3A_8, %get3A_9] : memref<2x2000x128xf32, #tpu.memory_space<vmem>>, vector<1x2000x1xf32>
    %get3A_11 = vector.shape_cast %get3A_10 : vector<1x2000x1xf32> to vector<2000x1xf32>
    %add3A = arith.addf %get3A_6, %get3A_11 : vector<2000x1xf32>
    %add3A_12 = arith.constant 1.000000e+00 : f32
    %add3A_13 = vector.broadcast %add3A_12 : f32 to vector<2000x1xf32>
    %add3A_14 = arith.addf %add3A, %add3A_13 : vector<2000x1xf32>
    %rsqrt3A = math.rsqrt %add3A_14 : vector<2000x1xf32>
    %get3A_15 = arith.constant 0 : index
    %get3A_16 = arith.constant 0 : index
    %get3A_17 = vector.load %arg3[%get3A_15, %get3A_16] : memref<128x128xf32, #tpu.memory_space<vmem>>, vector<128x128xf32>
    %dot_general3A = arith.constant dense<0.000000e+00> : vector<2000x128xf32>
    %dot_general3A_18 = tpu.matmul %get3A_1, %get3A_17, %dot_general3A {dimension_numbers = #tpu.dot_dimension_numbers<[1], [0], [0], [1], [0, 0, 1, 1], [], []>, transpose_lhs_hint = false} : vector<2000x128xf32>, vector<128x128xf32>, vector<2000x128xf32> -> vector<2000x128xf32>
    %get3A_19 = arith.constant 0 : index
    %get3A_20 = arith.constant 0 : index
    %get3A_21 = vector.load %arg4[%get3A_19, %get3A_20] : memref<1x128xf32, #tpu.memory_space<vmem>>, vector<1x128xf32>
    %add3A_22 = vector.broadcast %get3A_21 : vector<1x128xf32> to vector<2000x128xf32>
    %add3A_23 = arith.addf %dot_general3A_18, %add3A_22 : vector<2000x128xf32>
    %swap3A = arith.constant 0 : index
    %swap3A_24 = arith.constant 0 : index
    %swap3A_25 = vector.load %arg5[%swap3A, %swap3A_24] : memref<2000x128xf32, #tpu.memory_space<vmem>>, vector<2000x128xf32>
    tpu.vector_store %arg5[%swap3A, %swap3A_24], %add3A_23 {strides = array<i32>} : memref<2000x128xf32, #tpu.memory_space<vmem>>, vector<2000x128xf32>,
    %mul3A = vector.broadcast %rsqrt3A : vector<2000x1xf32> to vector<2000x128xf32>
    %mul3A_26 = arith.mulf %get3A_1, %mul3A : vector<2000x128xf32>
    %swap3A_27 = arith.constant 0 : index
    %swap3A_28 = arith.constant 0 : index
    %swap3A_29 = vector.load %arg6[%swap3A_27, %swap3A_28] : memref<2000x128xf32, #tpu.memory_space<vmem>>, vector<2000x128xf32>
    tpu.vector_store %arg6[%swap3A_27, %swap3A_28], %mul3A_26 {strides = array<i32>} : memref<2000x128xf32, #tpu.memory_space<vmem>>, vector<2000x128xf32>,
    return
  }
  func.func @transform_0(%arg0: i32) -> (i32, i32) {
    %c0_i32 = arith.constant 0 : i32
    %c0_i32_0 = arith.constant 0 : i32
    return %arg0, %c0_i32 : i32, i32
  }
  func.func @transform_1(%arg0: i32) -> (i32, i32, i32) {
    %c0_i32 = arith.constant 0 : i32
    %c0_i32_0 = arith.constant 0 : i32
    %c0_i32_1 = arith.constant 0 : i32
    return %c0_i32, %arg0, %c0_i32_0 : i32, i32, i32
  }
  func.func @transform_2(%arg0: i32) -> (i32, i32) {
    %c0_i32 = arith.constant 0 : i32
    %c0_i32_0 = arith.constant 0 : i32
    %c0_i32_1 = arith.constant 0 : i32
    return %c0_i32, %c0_i32_0 : i32, i32
  }
  func.func @transform_3(%arg0: i32) -> (i32, i32) {
    %c0_i32 = arith.constant 0 : i32
    %c0_i32_0 = arith.constant 0 : i32
    %c0_i32_1 = arith.constant 0 : i32
    return %c0_i32, %c0_i32_0 : i32, i32
  }
  func.func @transform_4(%arg0: i32) -> (i32, i32) {
    %c0_i32 = arith.constant 0 : i32
    %c0_i32_0 = arith.constant 0 : i32
    return %arg0, %c0_i32 : i32, i32
  }
  func.func @transform_5(%arg0: i32) -> (i32, i32) {
    %c0_i32 = arith.constant 0 : i32
    %c0_i32_0 = arith.constant 0 : i32
    return %arg0, %c0_i32 : i32, i32
  }
}

</mosaic_0001>

<sc_bundles>
// kernel: kernel.11.cloned.1.call-start
scs
__scs_entry_jumppad:
0x0: {  	(pc) =	sbr.rel $0x88, $3  }
0x1: {  	(tag) =	ssettag $0x0;
	lr =	simm.s32 $0x1  }
0x2: {  	[smem:$0x3F99] =	sst lr;
	_ =	strace $0xD0000000  }
0x3: {  	_ = 	snop  }
0x4: {  	_ = 	snop  }
0x5: {  	_ = 	snop  }
0x6: {  	_ = 	snop  }
0x7: {  	_ = 	snop  }
__scs_overlays_trampoline_lowered:
0x8: {  	[smem:$0x3FA8] =	sst s0  }
0x9: {  	[smem:$0x3FA9] =	sst s1  }
0xa: {  	[smem:$0x3FAA] =	sst s2  }
0xb: {  	[smem:$0x3FAB] =	sst s3  }
0xc: {  	[smem:$0x3FAC] =	sst s4  }
0xd: {  	[smem:$0x3FAD] =	sst s5  }
0xe: {  	[smem:$0x3FAE] =	sst s6  }
0xf: {  	[smem:$0x3FAF] =	sst s7  }
0x10: {  	[smem:$0x3FB0] =	sst s8  }
0x11: {  	[smem:$0x3FB1] =	sst s9;
	s0 =	simm.s32 @!p0 $0x0  }
0x12: {  	s1 =	sld [smem:$0x3F97];
	s0 =	simm.s32 @p0 $0x1  }
0x13: {  	[smem:$0x3FB2] =	sst s0;
	s0 =	simm.s32 @!p1 $0x0  }
0x14: {  	s2 =	sld [smem:$0x3F96];
	s0 =	simm.s32 @p1 $0x1  }
0x15: {  	[smem:$0x3FB3] =	sst s0;
	s0 =	simm.s32 @!p2 $0x0  }
0x16: {  	s3 =	sld [smem:$0x3FDB];
	s0 =	simm.s32 @p2 $0x1  }
0x17: {  	s4 =	simm.s32 $0x1BF5;
	[smem:$0x3FB5] =	sst s0  }
0x18: {  	s0 =	sld [smem:$0x3F98];
	_ =	swait.ge [sflag:s4], $0x0  }
0x19: {  	s7 =	sld [smem:$0x3F99]  }
0x1a: {  	s8 =	sadd.s32 $0xFFFFE003, lr  }
0x1b: {  	s9 =	sadd.s32 $0xFFFFFEF7, lr;
	s5 =	simm.s32 $0xFFFFFFFF;
	p2 =	slt.u32 s8, $0xFFFFF086  }
0x1c: {  	p1 =	slt.u32 s9, $0xF7A;
	s5 =	simm.s32 @!p2 $0x0  }
0x1d: {  	s5 =	simm.s32 @p1 $0x1;
	p0 =	seq.s32 s7, s2  }
0x1e: {  	s7 =	smul.u32 @!p0 $0xF7A, s2;
	p2 =	seq.s32 @!p0 s5, $0x0  }
0x1f: {  	s9 =	smul.u32 $0xF7A, s1;
	s8 =	simm.s32 @!p0 $0x1BF5;
	p2 =	por !p2, p0  }
0x20: {  	[sflag:s8] =	ssyncset.s32 @!p0 $0xFFFFF086;
	s6 =	sadd.s32 @!p0 s3, s7;
	s7 =	simm.s32 @!p0 $0x108  }
0x21: {  	s3 =	sadd.s32 s3, s9;
	s6 =	sadd.s32 @!p0 $0x88, s6;
	s7 =	simm.s32 @p2 $0x1082  }
0x22: {  	[simem:s7], [sflag:s8] =	dma.local @!p0 [hbm:s6], $0xF7A  }
0x23: {  	s9 =	sor.u32 $0xD0000000, s2;
	s6 =	simm.s32 $0x108;
	_ =	swait.ge @!p0 [sflag:s8], $0x0  }
0x24: {  	s3 =	sadd.s32 $0x88, s3;
	s6 =	simm.s32 @!p1 $0x1082;
	[sflag:s4] =	ssyncset.s32 $0xFFFFF086  }
0x25: {  	[simem:s6], [sflag:s4] =	dma.local [hbm:s3], $0xF7A  }
0x26: {  	[smem:$0x3F99] =	sst s1;
	(tag) =	ssettag s2;
	_ =	strace s9  }
0x27: {  	s1 =	sld [smem:$0x3FA9]  }
0x28: {  	s2 =	sld [smem:$0x3FAA]  }
0x29: {  	s4 =	sld [smem:$0x3FAC]  }
0x2a: {  	p0 =	seq.s32 s5, $0x0;
	s5 =	sld [smem:$0x3FAD]  }
0x2b: {  	s6 =	sld [smem:$0x3FAE]  }
0x2c: {  	s7 =	sld [smem:$0x3FAF]  }
0x2d: {  	s3 =	simm.s32 $0x108;
	s8 =	sld [smem:$0x3FB0]  }
0x2e: {  	s3 =	simm.s32 @!p0 $0x1082;
	s9 =	sld [smem:$0x3FB1]  }
0x2f: {  	lr =	sadd.s32 s0, s3;
	s0 =	sld [smem:$0x3FA8]  }
0x30: {  	s3 =	sld [smem:$0x3FAB]  }
0x31: {  	[smem:$0x3FB4] =	sst s10  }
0x32: {  	s10 =	sld [smem:$0x3FB2];
	_ =	sdelay $0x3  }
0x33: {  	p0 =	seq.s32 s10, $0x1;
	s10 =	sld [smem:$0x3FB4];
	_ =	sdelay $0x3  }
0x34: {  	[smem:$0x3FB4] =	sst s10  }
0x35: {  	s10 =	sld [smem:$0x3FB3];
	_ =	sdelay $0x3  }
0x36: {  	p1 =	seq.s32 s10, $0x1;
	s10 =	sld [smem:$0x3FB4];
	_ =	sdelay $0x3  }
0x37: {  	[smem:$0x3FB4] =	sst s10  }
0x38: {  	s10 =	sld [smem:$0x3FB5]  }
0x39: {  	_ = 	snop;
	(pc) =	sbr.ind lr, $3  }
0x3a: {  	_ = 	snop  }
0x3b: {  	_ = 	snop  }
0x3c: {  	p2 =	seq.s32 s10, $0x1;
	s10 =	sld [smem:$0x3FB4]  }
0x3d: {  	_ =	shalt  }
0x3e: {  	_ =	shalt  }
0x3f: {  	_ =	shalt  }
0x40: {  	_ =	shalt  }
0x41: {  	_ =	shalt  }
0x42: {  	_ =	shalt  }
0x43: {  	_ =	shalt  }
0x44: {  	_ =	shalt  }
0x45: {  	_ =	shalt  }
0x46: {  	_ =	shalt  }
0x47: {  	_ =	shalt  }
0x48: {  	_ =	shalt  }
0x49: {  	_ =	shalt  }
0x4a: {  	_ =	shalt  }
0x4b: {  	_ =	shalt  }
0x4c: {  	_ =	shalt  }
0x4d: {  	_ =	shalt  }
0x4e: {  	_ =	shalt  }
0x4f: {  	_ =	shalt  }
0x50: {  	_ =	shalt  }
0x51: {  	_ =	shalt  }
0x52: {  	_ =	shalt  }
0x53: {  	_ =	shalt  }
0x54: {  	_ =	shalt  }
0x55: {  	_ =	shalt  }
0x56: {  	_ =	shalt  }
0x57: {  	_ =	shalt  }
0x58: {  	_ =	shalt  }
0x59: {  	_ =	shalt  }
0x5a: {  	_ =	shalt  }
0x5b: {  	_ =	shalt  }
0x5c: {  	_ =	shalt  }
0x5d: {  	_ =	shalt  }
0x5e: {  	_ =	shalt  }
0x5f: {  	_ =	shalt  }
0x60: {  	_ =	shalt  }
0x61: {  	_ =	shalt  }
0x62: {  	_ =	shalt  }
0x63: {  	_ =	shalt  }
0x64: {  	_ =	shalt  }
0x65: {  	_ =	shalt  }
0x66: {  	_ =	shalt  }
0x67: {  	_ =	shalt  }
0x68: {  	_ =	shalt  }
0x69: {  	_ =	shalt  }
0x6a: {  	_ =	shalt  }
0x6b: {  	_ =	shalt  }
0x6c: {  	_ =	shalt  }
0x6d: {  	_ =	shalt  }
0x6e: {  	_ =	shalt  }
0x6f: {  	_ =	shalt  }
0x70: {  	_ =	shalt  }
0x71: {  	_ =	shalt  }
0x72: {  	_ =	shalt  }
0x73: {  	_ =	shalt  }
0x74: {  	_ =	shalt  }
0x75: {  	_ =	shalt  }
0x76: {  	_ =	shalt  }
0x77: {  	_ =	shalt  }
0x78: {  	_ =	shalt  }
0x79: {  	_ =	shalt  }
0x7a: {  	_ =	shalt  }
0x7b: {  	_ =	shalt  }
0x7c: {  	_ =	shalt  }
0x7d: {  	_ =	shalt  }
0x7e: {  	_ =	shalt  }
0x7f: {  	_ =	shalt  }
0x80: {  	_ =	shalt  }
0x81: {  	_ =	shalt  }
0x82: {  	_ =	shalt  }
0x83: {  	_ =	shalt  }
0x84: {  	_ =	shalt  }
0x85: {  	_ =	shalt  }
0x86: {  	_ =	shalt  }
0x87: {  	_ =	shalt  }
.Lfunc_end0:
.L_simem_size_0:
called_computation.1_lowered:
.L_overlay_start_0:
0x88: {  	s2 =	sld [smem:$0x3FD9]  }
0x89: {  	s3 =	sld [smem:$0x3FFE];
	_ =	sdelay $0x1  }
0x8a: {  	s1 =	srdreg.scid  }
0x8b: {  	s0 =	sand.u32 $0x1, s1  }
0x8c: {  	s17 =	sshll.u32 s0, $0xA;
	s2 =	sadd.s32 s3, s2  }
0x8d: {  	s2 =	sadd.s32 s2, s17  }
0x8e: {  	[smem:$0x3FC0] =	sst s2  }
0x8f: {  	_ = 	snop  }
0x90: {  	s2 =	sld [smem:$0x3FD0];
	(tm) =	ssettm $0x1  }
0x91: {  	s18 =	sld [smem:$0x3FFB];
	_ =	sdelay $0x3  }
0x92: {  	_ =	strace s18  }
0x93: {  	s3 =	sld [smem:$0x3FFC];
	_ =	sdelay $0x3  }
0x94: {  	_ =	strace s3  }
0x95: {  	s3 =	sld [smem:$0x3FFD];
	_ =	sdelay $0x3  }
0x96: {  	_ =	strace s3  }
0x97: {  	_ =	strace $0x8FFFFFFF  }
0x98: {  	s19 =	sld [smem:$0x3FDB];
	_ =	sdelay $0x1  }
0x99: {  	s4 =	simm.s32 $_scs_section_size  }
0x9a: {  	s5 =	simm.s32 $_size__tile_overlayer_lowered;
	s6 =	simm.s32 $_tile_overlayer_lowered  }
0x9b: {  	s22 =	simm.s32 $0x1BFF;
	s21 =	sshll.u32 s6, $0x1;
	s3 =	sadd.s32 s4, s19  }
0x9c: {  	s7 =	simm.s32 $0x0;
	s20 =	sshll.u32 s5, $0x1;
	s5 =	sadd.s32 s21, s3  }
0x9d: {  	[timem:s7], [sflag:s22] =	dma.local [hbm:s5], s20  }
0x9e: {  	_ =	swait.ge [sflag:s22], s20  }
0x9f: {  	s4 =	ssub.s32 $0x0, s20;
	[sflag:s22] =	ssyncset.done $0x0  }
0xa0: {  	[sflag:s22] =	ssyncadd.s32 s4;
	_ =	sdelay $0x1  }
0xa1: {  	s23 =	simm.s32 $0x1B8B  }
0xa2: {  	_ =	swait.ge [sflag:s23], $0x1  }
0xa3: {  	[sflag:s23] =	ssyncset.done $0x0  }
0xa4: {  	s25 =	simm.s32 $0x1B8E;
	s24 =	sld [smem:$0x3FFE];
	[sflag:s23] =	ssyncadd.s32 $0xFFFFFFFF  }
0xa5: {  	s26 =	simm.s32 $execute0_lowered;
	[smem:$0x3FD2] =	sst s25  }
0xa6: {  	s5 =	sshll.u32 s26, $0x1;
	_ =	strace $0x80000049;
	[dreg:$0x1] =	wrdreg $0xFFFFFFFF  }
0xa7: {  	s28 =	simm.s32 $_size_execute0_lowered;
	s3 =	sadd.s32 s3, s5;
	[dreg:$0x0] =	wrdreg $0x0  }
0xa8: {  	s5 =	sshll.u32 s28, $0x1;
	[dreg:$0x2] =	wrdreg s3  }
0xa9: {  	[dreg:$0x3] =	wrdreg s5  }
0xaa: {  	[dreg:$0x4] =	wrdreg $0xC0  }
0xab: {  	_ =	task [dreg:s7], $0x5FFFF  }
0xac: {  	[dreg:$0x1] =	wrdreg $0xFFFFFFFF  }
0xad: {  	[dreg:$0x0] =	wrdreg $0x60  }
0xae: {  	[dreg:$0x2] =	wrdreg s24  }
0xaf: {  	[dreg:$0x3] =	wrdreg s2  }
0xb0: {  	[dreg:$0x4] =	wrdreg $0x41000  }
0xb1: {  	[dreg:$0x5] =	wrdreg $0x9  }
0xb2: {  	_ =	task.clear_ibuf [dreg:s7], $0x6FFFF;
	_ =	strace $0x90000049  }
0xb3: {  	s29 =	simm.s32 $0x9;
	_ =	strace $0x8000004B  }
0xb4: {  	_ =	swait.ge [sflag:s29], $0x1  }
0xb5: {  	[sflag:s29] =	ssyncadd.s32 $0xFFFFFFFF  }
0xb6: {  	_ =	strace $0x9000004B  }
0xb7: {  	_ =	sfence  }
0xb8: {  	s30 =	sld [smem:$0x0];
	_ =	sdelay $0x2  }
0xb9: {  	s31 =	sshll.u32 s1, $0xD;
	s1 =	sshrl.u32 s1, $0x2  }
0xba: {  	s3 =	sand.u32 $0x4000, s31;
	s1 =	sadd.s32 s1, s30  }
0xbb: {  	s0 =	sor.u32 s3, s0;
	s1 =	sshll.u32 s1, $0x11  }
0xbc: {  	s0 =	sor.u32 s1, s0  }
0xbd: {  	s0 =	sadd.s32 $0x8F2B, s0  }
0xbe: {  	[sflag:s0] =	ssyncadd.remote.s32 $0x1  }
0xbf: {  	_ =	sfence.sel $0xFFFF  }
0xc0: {  	[dreg:$0x0] =	wrdreg $0xFFFFFFFF;
	(pc) =	sbr.abs _section_cstart, $3  }
0xc1: {  	[dreg:$0x1] =	wrdreg $0xFFFFFFFF  }
0xc2: {  	_ =	task.clear_ibuf [dreg:s7], $0x2FFFF;
	_ =	strace $0x9FFFFFFF  }
0xc3: {  	(tm) =	ssettm $0x7FFFFFFF  }
tec
execute0_lowered:
.L_overlay_start_1:
0x0: {  	(tag) =	ssettag $0x1  }
0x1: {  	s5 =	rddreg [dreg:$0x0]  }
0x2: {  	s8 =	rddreg [dreg:$0x1]  }
0x3: {  	s1 =	rddreg [dreg:$0x2]  }
0x4: {  	s0 =	rddreg [dreg:$0x3];
	s3 =	simm.s32 $0x0;
	s4 =	srdreg.scid  }
0x5: {  	s2 =	stileid.u32;
	s14 =	simm.s32 $0x80;
	s15 =	simm.s32 $0x100  }
0x6: {  	s16 =	simm.s32 $0x1;
	s17 =	simm.s32 $0x0;
	[smem:$0x7FF] =	sst s3  }
0x7: {  	s6 =	sand.u32 $0x1, s4;
	s7 =	sshll.u32 s2, $0x8;
	s26 =	smul.u32 $0x50000, s2  }
0x8: {  	s4 =	sadd.s32 $0x68A00, s5;
	s12 =	smul.u32 $0x14000, s2;
	s30 =	sshll.u32 s2, $0x6  }
0x9: {  	p0 =	slt.u32 s2, $0x2;
	_ =	strace $0x8000004A;
	s9 =	sshll.u32 s6, $0x7  }
0xa: {  	s10 =	ssub.s32 $0x2, s6;
	s6 =	smul.u32 $0x140000, s6;
	s7 =	sor.u32 s9, s7  }
0xb: {  	s28 =	sshrl.u32 s10, $0x1;
	s29 =	sshrl.u32 s26, $0x2;
	s7 =	sshrl.u32 s7, $0x3  }
0xc: {  	s10 =	ssub.s32 s10, s28;
	s13 =	sadd.s32 s29, s1;
	s31 =	sadd.s32 s12, s6  }
0xd: {  	s6 =	simm.s32 $0x4F;
	s11 =	sadd.s32 s7, s5;
	s5 =	sadd.s32 $0x16200, s5  }
0xe: {  	s9 =	sshrl.u32 s31, $0x3;
	s7 =	sor.u32 $0x1C02, s30;
	s6 =	simm.s32 @!p0 $0x4E  }
0xf: {  	s12 =	sshrl.u32 s13, $0x3;
	s13 =	simm.s32 $0x2;
	s8 =	sadd.s32 s8, s9  }
0x10: {  	s9 =	smax.u32 s10, $0x1;
	s10 =	sadd.s32 $0xC400, s11;
	s11 =	sadd.s32 $0x2600, s11  }
.LBB2_1:
0x11: {  	[spmem:s12], [sflag:s7] =	dma.local [hbm:s5], $0x2800  }
0x12: {  	_ =	swait.ge [sflag:s13], $0x2800  }
0x13: {  	[sflag:s13] =	ssyncset.done $0x0  }
0x14: {  	[sflag:s13] =	ssyncadd.s32 $0xFFFFD800  }
0x15: {  	[bflag:$0x0] =	sbarrier.arrive $0xFFFF  }
0x16: {  	[tilespmem:s3], [sflag:$0x2] =	stream.linear.gather [hbm4b:s11+s3], $0x80, $0x38;
	[tilespmem:$0x18100] =	vst v63  }
0x17: {  	_ =	swait.ge [sflag:s13], $0x80  }
0x18: {  	[sflag:s13] =	ssyncset.done $0x0  }
0x19: {  	[sflag:s13] =	ssyncadd.s32 $0xFFFFFF80  }
0x1a: {  	[tilespmem:s14], [sflag:$0x2] =	stream.linear.gather [hbm4b:s10+s3], $0x80, $0x38;
	[tilespmem:$0x18100] =	vst v63  }
0x1b: {  	_ =	swait.ge [sflag:s13], $0x80  }
0x1c: {  	[sflag:s13] =	ssyncset.done $0x0  }
0x1d: {  	[sflag:s13] =	ssyncadd.s32 $0xFFFFFF80  }
0x1e: {  	[tilespmem:s15], [sflag:$0x1] =	stream.indirect.gather [hbm4b:s4+s14], $0x80, s3, s14, $0xb8;
	[tilespmem:$0x18100] =	vst v63  }
0x1f: {  	p0 =	sne.s32 s6, $0x1;
	_ =	swait.ge [sflag:s16], $0x4000  }
.Ltmp0:
0x20: {  	[sflag:s16] =	ssyncset.done $0x0;
	(pc) =	sbr.rel @!p0 .LBB2_3-.Ltmp0, $4  }
0x21: {  	[sflag:s16] =	ssyncadd.s32 $0xFFFFC000  }
0x22: {  	[spmem:s1] =	stream.indirect.scatter.add.f32 [tilespmem:s15], [sflag:$0x2], $0x80, s14, s14, $0xb8;
	[tilespmem:$0x18100] =	vst v63  }
0x23: {  	s18 =	sadd.s32 $0xFFFFFFFF, s6;
	_ =	swait.ge [sflag:s13], $0x4000  }
0x24: {  	s19 =	smov.u32 s10;
	s20 =	smov.u32 s11;
	[sflag:s13] =	ssyncset.done $0x0  }
.LBB2_2:
0x25: {  	[sflag:s13] =	ssyncadd.s32 $0xFFFFC000;
	s19 =	sadd.s32 $0x200, s19;
	s20 =	sadd.s32 $0x200, s20  }
0x26: {  	[tilespmem:s3], [sflag:$0x2] =	stream.linear.gather [hbm4b:s20+s3], $0x80, $0x38;
	[tilespmem:$0x18100] =	vst v63  }
0x27: {  	p0 =	sne.s32 s18, $0x1;
	s18 =	sadd.s32 $0xFFFFFFFF, s18;
	_ =	swait.ge [sflag:s13], $0x80  }
0x28: {  	[sflag:s13] =	ssyncset.done $0x0  }
0x29: {  	[sflag:s13] =	ssyncadd.s32 $0xFFFFFF80  }
0x2a: {  	[tilespmem:s14], [sflag:$0x2] =	stream.linear.gather [hbm4b:s19+s3], $0x80, $0x38;
	[tilespmem:$0x18100] =	vst v63  }
0x2b: {  	_ =	swait.ge [sflag:s13], $0x80  }
0x2c: {  	[sflag:s13] =	ssyncset.done $0x0  }
0x2d: {  	[sflag:s13] =	ssyncadd.s32 $0xFFFFFF80  }
0x2e: {  	[tilespmem:s15], [sflag:$0x1] =	stream.indirect.gather [hbm4b:s4+s14], $0x80, s3, s14, $0xb8;
	[tilespmem:$0x18100] =	vst v63  }
0x2f: {  	_ =	swait.ge [sflag:s16], $0x4000  }
.Ltmp1:
0x30: {  	[sflag:s16] =	ssyncset.done $0x0;
	(pc) =	sbr.rel @p0 .LBB2_2-.Ltmp1, $4  }
0x31: {  	[sflag:s16] =	ssyncadd.s32 $0xFFFFC000  }
0x32: {  	[spmem:s1] =	stream.indirect.scatter.add.f32 [tilespmem:s15], [sflag:$0x2], $0x80, s14, s14, $0xb8;
	[tilespmem:$0x18100] =	vst v63  }
0x33: {  	_ =	swait.ge [sflag:s13], $0x4000  }
0x34: {  	[sflag:s13] =	ssyncset.done $0x0  }
.LBB2_3:
0x35: {  	s17 =	sadd.s32 $0x1, s17  }
0x36: {  	[sflag:s13] =	ssyncadd.s32 $0xFFFFC000;
	p0 =	sne.s32 s17, s9  }
.Ltmp2:
0x37: {  	[bflag:$0x0] =	sbarrier.arrive $0xFFFF;
	(pc) =	sbr.rel @p0 .LBB2_1-.Ltmp2, $4  }
0x38: {  	[hbm:s8], [sflag:s7] =	dma.local [spmem:s12], $0x2800  }
0x39: {  	_ =	swait.ge [sflag:s13], $0x2800  }
0x3a: {  	[sflag:s13] =	ssyncset.done $0x0  }
0x3b: {  	[sflag:s13] =	ssyncadd.s32 $0xFFFFD800  }
0x3c: {  	_ =	sfence.sel $0x180000  }
0x3d: {  	[bflag:$0x0] =	sbarrier.arrive $0xFFFF  }
0x3e: {  	p0 =	sne.s32 s2, $0x0;
	_ =	strace $0x9000004A  }
0x3f: {  	s0 =	sadd.s32 @!p0 $0x100000, s0;
	[bflag:$0x2] =	sbarrier.arrive $0xFFFF  }
0x40: {  	[sflag:s0] =	ssyncadd.tile.s32 @!p0 $0x1;
	_ =	shalt  }
.Lfunc_end2:
_tile_overlayer_lowered:
.L_overlay_start_2:
0x41: {  	(tag) =	ssettag $0x2  }
0x42: {  	s0 =	rddreg [dreg:$0x0];
	s2 =	stileid.u32  }
0x43: {  	s1 =	rddreg [dreg:$0x1];
	p0 =	sne.s32 s2, $0x0  }
0x44: {  	s3 =	rddreg [dreg:$0x2];
	[bflag:$0x3] =	sbarrier.arrive $0xFFFF;
	s2 =	simm.s32 @!p0 $0x1C02  }
0x45: {  	[timem:s3], [sflag:s2] =	dma.local @!p0 [hbm:s0], s1  }
0x46: {  	s0 =	simm.s32 @!p0 $0x2  }
0x47: {  	_ =	swait.ge @!p0 [sflag:s0], s1  }
0x48: {  	s1 =	ssub.s32 @!p0 $0x0, s1;
	[sflag:s0] =	ssyncset.done @!p0 $0x0  }
0x49: {  	[sflag:s0] =	ssyncadd.s32 @!p0 s1  }
0x4a: {  	[bflag:$0x3] =	sbarrier.arrive $0xFFFF  }
0x4b: {  	_ =	shalt  }

// kernel: kernel.14.cloned.1.call-start
scs
__scs_entry_jumppad:
0x0: {  	(pc) =	sbr.rel $0x88, $3  }
0x1: {  	(tag) =	ssettag $0x0;
	lr =	simm.s32 $0x1  }
0x2: {  	[smem:$0x3F99] =	sst lr;
	_ =	strace $0xD0000000  }
0x3: {  	_ = 	snop  }
0x4: {  	_ = 	snop  }
0x5: {  	_ = 	snop  }
0x6: {  	_ = 	snop  }
0x7: {  	_ = 	snop  }
__scs_overlays_trampoline_lowered:
0x8: {  	[smem:$0x3FA8] =	sst s0  }
0x9: {  	[smem:$0x3FA9] =	sst s1  }
0xa: {  	[smem:$0x3FAA] =	sst s2  }
0xb: {  	[smem:$0x3FAB] =	sst s3  }
0xc: {  	[smem:$0x3FAC] =	sst s4  }
0xd: {  	[smem:$0x3FAD] =	sst s5  }
0xe: {  	[smem:$0x3FAE] =	sst s6  }
0xf: {  	[smem:$0x3FAF] =	sst s7  }
0x10: {  	[smem:$0x3FB0] =	sst s8  }
0x11: {  	[smem:$0x3FB1] =	sst s9;
	s0 =	simm.s32 @!p0 $0x0  }
0x12: {  	s1 =	sld [smem:$0x3F97];
	s0 =	simm.s32 @p0 $0x1  }
0x13: {  	[smem:$0x3FB2] =	sst s0;
	s0 =	simm.s32 @!p1 $0x0  }
0x14: {  	s2 =	sld [smem:$0x3F96];
	s0 =	simm.s32 @p1 $0x1  }
0x15: {  	[smem:$0x3FB3] =	sst s0;
	s0 =	simm.s32 @!p2 $0x0  }
0x16: {  	s3 =	sld [smem:$0x3FDB];
	s0 =	simm.s32 @p2 $0x1  }
0x17: {  	s4 =	simm.s32 $0x1BF5;
	[smem:$0x3FB5] =	sst s0  }
0x18: {  	s0 =	sld [smem:$0x3F98];
	_ =	swait.ge [sflag:s4], $0x0  }
0x19: {  	s7 =	sld [smem:$0x3F99]  }
0x1a: {  	s8 =	sadd.s32 $0xFFFFE003, lr  }
0x1b: {  	s9 =	sadd.s32 $0xFFFFFEF7, lr;
	s5 =	simm.s32 $0xFFFFFFFF;
	p2 =	slt.u32 s8, $0xFFFFF086  }
0x1c: {  	p1 =	slt.u32 s9, $0xF7A;
	s5 =	simm.s32 @!p2 $0x0  }
0x1d: {  	s5 =	simm.s32 @p1 $0x1;
	p0 =	seq.s32 s7, s2  }
0x1e: {  	s7 =	smul.u32 @!p0 $0xF7A, s2;
	p2 =	seq.s32 @!p0 s5, $0x0  }
0x1f: {  	s9 =	smul.u32 $0xF7A, s1;
	s8 =	simm.s32 @!p0 $0x1BF5;
	p2 =	por !p2, p0  }
0x20: {  	[sflag:s8] =	ssyncset.s32 @!p0 $0xFFFFF086;
	s6 =	sadd.s32 @!p0 s3, s7;
	s7 =	simm.s32 @!p0 $0x108  }
0x21: {  	s3 =	sadd.s32 s3, s9;
	s6 =	sadd.s32 @!p0 $0x88, s6;
	s7 =	simm.s32 @p2 $0x1082  }
0x22: {  	[simem:s7], [sflag:s8] =	dma.local @!p0 [hbm:s6], $0xF7A  }
0x23: {  	s9 =	sor.u32 $0xD0000000, s2;
	s6 =	simm.s32 $0x108;
	_ =	swait.ge @!p0 [sflag:s8], $0x0  }
0x24: {  	s3 =	sadd.s32 $0x88, s3;
	s6 =	simm.s32 @!p1 $0x1082;
	[sflag:s4] =	ssyncset.s32 $0xFFFFF086  }
0x25: {  	[simem:s6], [sflag:s4] =	dma.local [hbm:s3], $0xF7A  }
0x26: {  	[smem:$0x3F99] =	sst s1;
	(tag) =	ssettag s2;
	_ =	strace s9  }
0x27: {  	s1 =	sld [smem:$0x3FA9]  }
0x28: {  	s2 =	sld [smem:$0x3FAA]  }
0x29: {  	s4 =	sld [smem:$0x3FAC]  }
0x2a: {  	p0 =	seq.s32 s5, $0x0;
	s5 =	sld [smem:$0x3FAD]  }
0x2b: {  	s6 =	sld [smem:$0x3FAE]  }
0x2c: {  	s7 =	sld [smem:$0x3FAF]  }
0x2d: {  	s3 =	simm.s32 $0x108;
	s8 =	sld [smem:$0x3FB0]  }
0x2e: {  	s3 =	simm.s32 @!p0 $0x1082;
	s9 =	sld [smem:$0x3FB1]  }
0x2f: {  	lr =	sadd.s32 s0, s3;
	s0 =	sld [smem:$0x3FA8]  }
0x30: {  	s3 =	sld [smem:$0x3FAB]  }
0x31: {  	[smem:$0x3FB4] =	sst s10  }
0x32: {  	s10 =	sld [smem:$0x3FB2];
	_ =	sdelay $0x3  }
0x33: {  	p0 =	seq.s32 s10, $0x1;
	s10 =	sld [smem:$0x3FB4];
	_ =	sdelay $0x3  }
0x34: {  	[smem:$0x3FB4] =	sst s10  }
0x35: {  	s10 =	sld [smem:$0x3FB3];
	_ =	sdelay $0x3  }
0x36: {  	p1 =	seq.s32 s10, $0x1;
	s10 =	sld [smem:$0x3FB4];
	_ =	sdelay $0x3  }
0x37: {  	[smem:$0x3FB4] =	sst s10  }
0x38: {  	s10 =	sld [smem:$0x3FB5]  }
0x39: {  	_ = 	snop;
	(pc) =	sbr.ind lr, $3  }
0x3a: {  	_ = 	snop  }
0x3b: {  	_ = 	snop  }
0x3c: {  	p2 =	seq.s32 s10, $0x1;
	s10 =	sld [smem:$0x3FB4]  }
0x3d: {  	_ =	shalt  }
0x3e: {  	_ =	shalt  }
0x3f: {  	_ =	shalt  }
0x40: {  	_ =	shalt  }
0x41: {  	_ =	shalt  }
0x42: {  	_ =	shalt  }
0x43: {  	_ =	shalt  }
0x44: {  	_ =	shalt  }
0x45: {  	_ =	shalt  }
0x46: {  	_ =	shalt  }
0x47: {  	_ =	shalt  }
0x48: {  	_ =	shalt  }
0x49: {  	_ =	shalt  }
0x4a: {  	_ =	shalt  }
0x4b: {  	_ =	shalt  }
0x4c: {  	_ =	shalt  }
0x4d: {  	_ =	shalt  }
0x4e: {  	_ =	shalt  }
0x4f: {  	_ =	shalt  }
0x50: {  	_ =	shalt  }
0x51: {  	_ =	shalt  }
0x52: {  	_ =	shalt  }
0x53: {  	_ =	shalt  }
0x54: {  	_ =	shalt  }
0x55: {  	_ =	shalt  }
0x56: {  	_ =	shalt  }
0x57: {  	_ =	shalt  }
0x58: {  	_ =	shalt  }
0x59: {  	_ =	shalt  }
0x5a: {  	_ =	shalt  }
0x5b: {  	_ =	shalt  }
0x5c: {  	_ =	shalt  }
0x5d: {  	_ =	shalt  }
0x5e: {  	_ =	shalt  }
0x5f: {  	_ =	shalt  }
0x60: {  	_ =	shalt  }
0x61: {  	_ =	shalt  }
0x62: {  	_ =	shalt  }
0x63: {  	_ =	shalt  }
0x64: {  	_ =	shalt  }
0x65: {  	_ =	shalt  }
0x66: {  	_ =	shalt  }
0x67: {  	_ =	shalt  }
0x68: {  	_ =	shalt  }
0x69: {  	_ =	shalt  }
0x6a: {  	_ =	shalt  }
0x6b: {  	_ =	shalt  }
0x6c: {  	_ =	shalt  }
0x6d: {  	_ =	shalt  }
0x6e: {  	_ =	shalt  }
0x6f: {  	_ =	shalt  }
0x70: {  	_ =	shalt  }
0x71: {  	_ =	shalt  }
0x72: {  	_ =	shalt  }
0x73: {  	_ =	shalt  }
0x74: {  	_ =	shalt  }
0x75: {  	_ =	shalt  }
0x76: {  	_ =	shalt  }
0x77: {  	_ =	shalt  }
0x78: {  	_ =	shalt  }
0x79: {  	_ =	shalt  }
0x7a: {  	_ =	shalt  }
0x7b: {  	_ =	shalt  }
0x7c: {  	_ =	shalt  }
0x7d: {  	_ =	shalt  }
0x7e: {  	_ =	shalt  }
0x7f: {  	_ =	shalt  }
0x80: {  	_ =	shalt  }
0x81: {  	_ =	shalt  }
0x82: {  	_ =	shalt  }
0x83: {  	_ =	shalt  }
0x84: {  	_ =	shalt  }
0x85: {  	_ =	shalt  }
0x86: {  	_ =	shalt  }
0x87: {  	_ =	shalt  }
.Lfunc_end0:
.L_simem_size_0:
called_computation.2_lowered:
.L_overlay_start_0:
0x88: {  	s2 =	sld [smem:$0x3FD9]  }
0x89: {  	s3 =	sld [smem:$0x3FFE];
	_ =	sdelay $0x1  }
0x8a: {  	s1 =	srdreg.scid  }
0x8b: {  	s0 =	sand.u32 $0x1, s1  }
0x8c: {  	s17 =	sshll.u32 s0, $0xA;
	s2 =	sadd.s32 s3, s2  }
0x8d: {  	s2 =	sadd.s32 s2, s17  }
0x8e: {  	[smem:$0x3FC0] =	sst s2  }
0x8f: {  	_ = 	snop  }
0x90: {  	s2 =	sld [smem:$0x3FD0];
	(tm) =	ssettm $0x1  }
0x91: {  	s18 =	sld [smem:$0x3FFB];
	_ =	sdelay $0x3  }
0x92: {  	_ =	strace s18  }
0x93: {  	s3 =	sld [smem:$0x3FFC];
	_ =	sdelay $0x3  }
0x94: {  	_ =	strace s3  }
0x95: {  	s3 =	sld [smem:$0x3FFD];
	_ =	sdelay $0x3  }
0x96: {  	_ =	strace s3  }
0x97: {  	_ =	strace $0x8FFFFFFF  }
0x98: {  	s19 =	sld [smem:$0x3FDB];
	_ =	sdelay $0x1  }
0x99: {  	s4 =	simm.s32 $_scs_section_size  }
0x9a: {  	s5 =	simm.s32 $_size__tile_overlayer_lowered;
	s6 =	simm.s32 $_tile_overlayer_lowered  }
0x9b: {  	s22 =	simm.s32 $0x1BFF;
	s21 =	sshll.u32 s6, $0x1;
	s3 =	sadd.s32 s4, s19  }
0x9c: {  	s7 =	simm.s32 $0x0;
	s20 =	sshll.u32 s5, $0x1;
	s5 =	sadd.s32 s21, s3  }
0x9d: {  	[timem:s7], [sflag:s22] =	dma.local [hbm:s5], s20  }
0x9e: {  	_ =	swait.ge [sflag:s22], s20  }
0x9f: {  	s4 =	ssub.s32 $0x0, s20;
	[sflag:s22] =	ssyncset.done $0x0  }
0xa0: {  	[sflag:s22] =	ssyncadd.s32 s4;
	_ =	sdelay $0x1  }
0xa1: {  	s23 =	simm.s32 $0x1B8B  }
0xa2: {  	_ =	swait.ge [sflag:s23], $0x1  }
0xa3: {  	[sflag:s23] =	ssyncset.done $0x0  }
0xa4: {  	s25 =	simm.s32 $0x1B8E;
	s24 =	sld [smem:$0x3FFE];
	[sflag:s23] =	ssyncadd.s32 $0xFFFFFFFF  }
0xa5: {  	s26 =	simm.s32 $execute0_lowered;
	[smem:$0x3FD2] =	sst s25  }
0xa6: {  	s5 =	sshll.u32 s26, $0x1;
	_ =	strace $0x8000004C;
	[dreg:$0x1] =	wrdreg $0xFFFFFFFF  }
0xa7: {  	s28 =	simm.s32 $_size_execute0_lowered;
	s3 =	sadd.s32 s3, s5;
	[dreg:$0x0] =	wrdreg $0x0  }
0xa8: {  	s5 =	sshll.u32 s28, $0x1;
	[dreg:$0x2] =	wrdreg s3  }
0xa9: {  	[dreg:$0x3] =	wrdreg s5  }
0xaa: {  	[dreg:$0x4] =	wrdreg $0xC0  }
0xab: {  	_ =	task [dreg:s7], $0x5FFFF  }
0xac: {  	[dreg:$0x1] =	wrdreg $0xFFFFFFFF  }
0xad: {  	[dreg:$0x0] =	wrdreg $0x60  }
0xae: {  	[dreg:$0x2] =	wrdreg s24  }
0xaf: {  	[dreg:$0x3] =	wrdreg s2  }
0xb0: {  	[dreg:$0x4] =	wrdreg $0x41000  }
0xb1: {  	[dreg:$0x5] =	wrdreg $0x9  }
0xb2: {  	_ =	task.clear_ibuf [dreg:s7], $0x6FFFF;
	_ =	strace $0x9000004C  }
0xb3: {  	s29 =	simm.s32 $0x9;
	_ =	strace $0x8000004E  }
0xb4: {  	_ =	swait.ge [sflag:s29], $0x1  }
0xb5: {  	[sflag:s29] =	ssyncadd.s32 $0xFFFFFFFF  }
0xb6: {  	_ =	strace $0x9000004E  }
0xb7: {  	_ =	sfence  }
0xb8: {  	s30 =	sld [smem:$0x0];
	_ =	sdelay $0x2  }
0xb9: {  	s31 =	sshll.u32 s1, $0xD;
	s1 =	sshrl.u32 s1, $0x2  }
0xba: {  	s3 =	sand.u32 $0x4000, s31;
	s1 =	sadd.s32 s1, s30  }
0xbb: {  	s0 =	sor.u32 s3, s0;
	s1 =	sshll.u32 s1, $0x11  }
0xbc: {  	s0 =	sor.u32 s1, s0  }
0xbd: {  	s0 =	sadd.s32 $0x8F2B, s0  }
0xbe: {  	[sflag:s0] =	ssyncadd.remote.s32 $0x1  }
0xbf: {  	_ =	sfence.sel $0xFFFF  }
0xc0: {  	[dreg:$0x0] =	wrdreg $0xFFFFFFFF;
	(pc) =	sbr.abs _section_cstart, $3  }
0xc1: {  	[dreg:$0x1] =	wrdreg $0xFFFFFFFF  }
0xc2: {  	_ =	task.clear_ibuf [dreg:s7], $0x2FFFF;
	_ =	strace $0x9FFFFFFF  }
0xc3: {  	(tm) =	ssettm $0x7FFFFFFF  }
tec
execute0_lowered:
.L_overlay_start_1:
0x0: {  	(tag) =	ssettag $0x1  }
0x1: {  	s5 =	rddreg [dreg:$0x0]  }
0x2: {  	s8 =	rddreg [dreg:$0x1]  }
0x3: {  	s1 =	rddreg [dreg:$0x2]  }
0x4: {  	s0 =	rddreg [dreg:$0x3];
	s3 =	simm.s32 $0x0;
	s4 =	srdreg.scid  }
0x5: {  	s2 =	stileid.u32;
	s14 =	simm.s32 $0x80;
	s15 =	simm.s32 $0x100  }
0x6: {  	s16 =	simm.s32 $0x1;
	s17 =	simm.s32 $0x0;
	[smem:$0x7FF] =	sst s3  }
0x7: {  	s6 =	sand.u32 $0x1, s4;
	s7 =	sshll.u32 s2, $0x8;
	s26 =	smul.u32 $0x50000, s2  }
0x8: {  	s4 =	sadd.s32 $0x68A00, s5;
	s12 =	smul.u32 $0x14000, s2;
	s30 =	sshll.u32 s2, $0x6  }
0x9: {  	p0 =	slt.u32 s2, $0x2;
	_ =	strace $0x8000004D;
	s9 =	sshll.u32 s6, $0x7  }
0xa: {  	s10 =	ssub.s32 $0x2, s6;
	s6 =	smul.u32 $0x140000, s6;
	s7 =	sor.u32 s9, s7  }
0xb: {  	s28 =	sshrl.u32 s10, $0x1;
	s29 =	sshrl.u32 s26, $0x2;
	s7 =	sshrl.u32 s7, $0x3  }
0xc: {  	s10 =	ssub.s32 s10, s28;
	s13 =	sadd.s32 s29, s1;
	s31 =	sadd.s32 s12, s6  }
0xd: {  	s6 =	simm.s32 $0x4F;
	s11 =	sadd.s32 s7, s5;
	s5 =	sadd.s32 $0x16200, s5  }
0xe: {  	s9 =	sshrl.u32 s31, $0x3;
	s7 =	sor.u32 $0x1C02, s30;
	s6 =	simm.s32 @!p0 $0x4E  }
0xf: {  	s12 =	sshrl.u32 s13, $0x3;
	s13 =	simm.s32 $0x2;
	s8 =	sadd.s32 s8, s9  }
0x10: {  	s9 =	smax.u32 s10, $0x1;
	s10 =	sadd.s32 $0xC400, s11;
	s11 =	sadd.s32 $0x2600, s11  }
.LBB2_1:
0x11: {  	[spmem:s12], [sflag:s7] =	dma.local [hbm:s5], $0x2800  }
0x12: {  	_ =	swait.ge [sflag:s13], $0x2800  }
0x13: {  	[sflag:s13] =	ssyncset.done $0x0  }
0x14: {  	[sflag:s13] =	ssyncadd.s32 $0xFFFFD800  }
0x15: {  	[bflag:$0x0] =	sbarrier.arrive $0xFFFF  }
0x16: {  	[tilespmem:s3], [sflag:$0x2] =	stream.linear.gather [hbm4b:s11+s3], $0x80, $0x38;
	[tilespmem:$0x18100] =	vst v63  }
0x17: {  	_ =	swait.ge [sflag:s13], $0x80  }
0x18: {  	[sflag:s13] =	ssyncset.done $0x0  }
0x19: {  	[sflag:s13] =	ssyncadd.s32 $0xFFFFFF80  }
0x1a: {  	[tilespmem:s14], [sflag:$0x2] =	stream.linear.gather [hbm4b:s10+s3], $0x80, $0x38;
	[tilespmem:$0x18100] =	vst v63  }
0x1b: {  	_ =	swait.ge [sflag:s13], $0x80  }
0x1c: {  	[sflag:s13] =	ssyncset.done $0x0  }
0x1d: {  	[sflag:s13] =	ssyncadd.s32 $0xFFFFFF80  }
0x1e: {  	[tilespmem:s15], [sflag:$0x1] =	stream.indirect.gather [hbm4b:s4+s14], $0x80, s3, s14, $0xb8;
	[tilespmem:$0x18100] =	vst v63  }
0x1f: {  	p0 =	sne.s32 s6, $0x1;
	_ =	swait.ge [sflag:s16], $0x4000  }
.Ltmp0:
0x20: {  	[sflag:s16] =	ssyncset.done $0x0;
	(pc) =	sbr.rel @!p0 .LBB2_3-.Ltmp0, $4  }
0x21: {  	[sflag:s16] =	ssyncadd.s32 $0xFFFFC000  }
0x22: {  	[spmem:s1] =	stream.indirect.scatter.add.f32 [tilespmem:s15], [sflag:$0x2], $0x80, s14, s14, $0xb8;
	[tilespmem:$0x18100] =	vst v63  }
0x23: {  	s18 =	sadd.s32 $0xFFFFFFFF, s6;
	_ =	swait.ge [sflag:s13], $0x4000  }
0x24: {  	s19 =	smov.u32 s10;
	s20 =	smov.u32 s11;
	[sflag:s13] =	ssyncset.done $0x0  }
.LBB2_2:
0x25: {  	[sflag:s13] =	ssyncadd.s32 $0xFFFFC000;
	s19 =	sadd.s32 $0x200, s19;
	s20 =	sadd.s32 $0x200, s20  }
0x26: {  	[tilespmem:s3], [sflag:$0x2] =	stream.linear.gather [hbm4b:s20+s3], $0x80, $0x38;
	[tilespmem:$0x18100] =	vst v63  }
0x27: {  	p0 =	sne.s32 s18, $0x1;
	s18 =	sadd.s32 $0xFFFFFFFF, s18;
	_ =	swait.ge [sflag:s13], $0x80  }
0x28: {  	[sflag:s13] =	ssyncset.done $0x0  }
0x29: {  	[sflag:s13] =	ssyncadd.s32 $0xFFFFFF80  }
0x2a: {  	[tilespmem:s14], [sflag:$0x2] =	stream.linear.gather [hbm4b:s19+s3], $0x80, $0x38;
	[tilespmem:$0x18100] =	vst v63  }
0x2b: {  	_ =	swait.ge [sflag:s13], $0x80  }
0x2c: {  	[sflag:s13] =	ssyncset.done $0x0  }
0x2d: {  	[sflag:s13] =	ssyncadd.s32 $0xFFFFFF80  }
0x2e: {  	[tilespmem:s15], [sflag:$0x1] =	stream.indirect.gather [hbm4b:s4+s14], $0x80, s3, s14, $0xb8;
	[tilespmem:$0x18100] =	vst v63  }
0x2f: {  	_ =	swait.ge [sflag:s16], $0x4000  }
.Ltmp1:
0x30: {  	[sflag:s16] =	ssyncset.done $0x0;
	(pc) =	sbr.rel @p0 .LBB2_2-.Ltmp1, $4  }
0x31: {  	[sflag:s16] =	ssyncadd.s32 $0xFFFFC000  }
0x32: {  	[spmem:s1] =	stream.indirect.scatter.add.f32 [tilespmem:s15], [sflag:$0x2], $0x80, s14, s14, $0xb8;
	[tilespmem:$0x18100] =	vst v63  }
0x33: {  	_ =	swait.ge [sflag:s13], $0x4000  }
0x34: {  	[sflag:s13] =	ssyncset.done $0x0  }
.LBB2_3:
0x35: {  	s17 =	sadd.s32 $0x1, s17  }
0x36: {  	[sflag:s13] =	ssyncadd.s32 $0xFFFFC000;
	p0 =	sne.s32 s17, s9  }
.Ltmp2:
0x37: {  	[bflag:$0x0] =	sbarrier.arrive $0xFFFF;
	(pc) =	sbr.rel @p0 .LBB2_1-.Ltmp2, $4  }
0x38: {  	[hbm:s8], [sflag:s7] =	dma.local [spmem:s12], $0x2800  }
0x39: {  	_ =	swait.ge [sflag:s13], $0x2800  }
0x3a: {  	[sflag:s13] =	ssyncset.done $0x0  }
0x3b: {  	[sflag:s13] =	ssyncadd.s32 $0xFFFFD800  }
0x3c: {  	_ =	sfence.sel $0x180000  }
0x3d: {  	[bflag:$0x0] =	sbarrier.arrive $0xFFFF  }
0x3e: {  	p0 =	sne.s32 s2, $0x0;
	_ =	strace $0x9000004D  }
0x3f: {  	s0 =	sadd.s32 @!p0 $0x100000, s0;
	[bflag:$0x2] =	sbarrier.arrive $0xFFFF  }
0x40: {  	[sflag:s0] =	ssyncadd.tile.s32 @!p0 $0x1;
	_ =	shalt  }
.Lfunc_end2:
_tile_overlayer_lowered:
.L_overlay_start_2:
0x41: {  	(tag) =	ssettag $0x2  }
0x42: {  	s0 =	rddreg [dreg:$0x0];
	s2 =	stileid.u32  }
0x43: {  	s1 =	rddreg [dreg:$0x1];
	p0 =	sne.s32 s2, $0x0  }
0x44: {  	s3 =	rddreg [dreg:$0x2];
	[bflag:$0x3] =	sbarrier.arrive $0xFFFF;
	s2 =	simm.s32 @!p0 $0x1C02  }
0x45: {  	[timem:s3], [sflag:s2] =	dma.local @!p0 [hbm:s0], s1  }
0x46: {  	s0 =	simm.s32 @!p0 $0x2  }
0x47: {  	_ =	swait.ge @!p0 [sflag:s0], s1  }
0x48: {  	s1 =	ssub.s32 @!p0 $0x0, s1;
	[sflag:s0] =	ssyncset.done @!p0 $0x0  }
0x49: {  	[sflag:s0] =	ssyncadd.s32 @!p0 s1  }
0x4a: {  	[bflag:$0x3] =	sbarrier.arrive $0xFFFF  }
0x4b: {  	_ =	shalt  }

// kernel: kernel.8.cloned.1.call-start
scs
__scs_entry_jumppad:
0x0: {  	(pc) =	sbr.rel $0x88, $3  }
0x1: {  	(tag) =	ssettag $0x0;
	lr =	simm.s32 $0x1  }
0x2: {  	[smem:$0x3F99] =	sst lr;
	_ =	strace $0xD0000000  }
0x3: {  	_ = 	snop  }
0x4: {  	_ = 	snop  }
0x5: {  	_ = 	snop  }
0x6: {  	_ = 	snop  }
0x7: {  	_ = 	snop  }
__scs_overlays_trampoline_lowered:
0x8: {  	[smem:$0x3FA8] =	sst s0  }
0x9: {  	[smem:$0x3FA9] =	sst s1  }
0xa: {  	[smem:$0x3FAA] =	sst s2  }
0xb: {  	[smem:$0x3FAB] =	sst s3  }
0xc: {  	[smem:$0x3FAC] =	sst s4  }
0xd: {  	[smem:$0x3FAD] =	sst s5  }
0xe: {  	[smem:$0x3FAE] =	sst s6  }
0xf: {  	[smem:$0x3FAF] =	sst s7  }
0x10: {  	[smem:$0x3FB0] =	sst s8  }
0x11: {  	[smem:$0x3FB1] =	sst s9;
	s0 =	simm.s32 @!p0 $0x0  }
0x12: {  	s1 =	sld [smem:$0x3F97];
	s0 =	simm.s32 @p0 $0x1  }
0x13: {  	[smem:$0x3FB2] =	sst s0;
	s0 =	simm.s32 @!p1 $0x0  }
0x14: {  	s2 =	sld [smem:$0x3F96];
	s0 =	simm.s32 @p1 $0x1  }
0x15: {  	[smem:$0x3FB3] =	sst s0;
	s0 =	simm.s32 @!p2 $0x0  }
0x16: {  	s3 =	sld [smem:$0x3FDB];
	s0 =	simm.s32 @p2 $0x1  }
0x17: {  	s4 =	simm.s32 $0x1BF5;
	[smem:$0x3FB5] =	sst s0  }
0x18: {  	s0 =	sld [smem:$0x3F98];
	_ =	swait.ge [sflag:s4], $0x0  }
0x19: {  	s7 =	sld [smem:$0x3F99]  }
0x1a: {  	s8 =	sadd.s32 $0xFFFFE003, lr  }
0x1b: {  	s9 =	sadd.s32 $0xFFFFFEF7, lr;
	s5 =	simm.s32 $0xFFFFFFFF;
	p2 =	slt.u32 s8, $0xFFFFF086  }
0x1c: {  	p1 =	slt.u32 s9, $0xF7A;
	s5 =	simm.s32 @!p2 $0x0  }
0x1d: {  	s5 =	simm.s32 @p1 $0x1;
	p0 =	seq.s32 s7, s2  }
0x1e: {  	s7 =	smul.u32 @!p0 $0xF7A, s2;
	p2 =	seq.s32 @!p0 s5, $0x0  }
0x1f: {  	s9 =	smul.u32 $0xF7A, s1;
	s8 =	simm.s32 @!p0 $0x1BF5;
	p2 =	por !p2, p0  }
0x20: {  	[sflag:s8] =	ssyncset.s32 @!p0 $0xFFFFF086;
	s6 =	sadd.s32 @!p0 s3, s7;
	s7 =	simm.s32 @!p0 $0x108  }
0x21: {  	s3 =	sadd.s32 s3, s9;
	s6 =	sadd.s32 @!p0 $0x88, s6;
	s7 =	simm.s32 @p2 $0x1082  }
0x22: {  	[simem:s7], [sflag:s8] =	dma.local @!p0 [hbm:s6], $0xF7A  }
0x23: {  	s9 =	sor.u32 $0xD0000000, s2;
	s6 =	simm.s32 $0x108;
	_ =	swait.ge @!p0 [sflag:s8], $0x0  }
0x24: {  	s3 =	sadd.s32 $0x88, s3;
	s6 =	simm.s32 @!p1 $0x1082;
	[sflag:s4] =	ssyncset.s32 $0xFFFFF086  }
0x25: {  	[simem:s6], [sflag:s4] =	dma.local [hbm:s3], $0xF7A  }
0x26: {  	[smem:$0x3F99] =	sst s1;
	(tag) =	ssettag s2;
	_ =	strace s9  }
0x27: {  	s1 =	sld [smem:$0x3FA9]  }
0x28: {  	s2 =	sld [smem:$0x3FAA]  }
0x29: {  	s4 =	sld [smem:$0x3FAC]  }
0x2a: {  	p0 =	seq.s32 s5, $0x0;
	s5 =	sld [smem:$0x3FAD]  }
0x2b: {  	s6 =	sld [smem:$0x3FAE]  }
0x2c: {  	s7 =	sld [smem:$0x3FAF]  }
0x2d: {  	s3 =	simm.s32 $0x108;
	s8 =	sld [smem:$0x3FB0]  }
0x2e: {  	s3 =	simm.s32 @!p0 $0x1082;
	s9 =	sld [smem:$0x3FB1]  }
0x2f: {  	lr =	sadd.s32 s0, s3;
	s0 =	sld [smem:$0x3FA8]  }
0x30: {  	s3 =	sld [smem:$0x3FAB]  }
0x31: {  	[smem:$0x3FB4] =	sst s10  }
0x32: {  	s10 =	sld [smem:$0x3FB2];
	_ =	sdelay $0x3  }
0x33: {  	p0 =	seq.s32 s10, $0x1;
	s10 =	sld [smem:$0x3FB4];
	_ =	sdelay $0x3  }
0x34: {  	[smem:$0x3FB4] =	sst s10  }
0x35: {  	s10 =	sld [smem:$0x3FB3];
	_ =	sdelay $0x3  }
0x36: {  	p1 =	seq.s32 s10, $0x1;
	s10 =	sld [smem:$0x3FB4];
	_ =	sdelay $0x3  }
0x37: {  	[smem:$0x3FB4] =	sst s10  }
0x38: {  	s10 =	sld [smem:$0x3FB5]  }
0x39: {  	_ = 	snop;
	(pc) =	sbr.ind lr, $3  }
0x3a: {  	_ = 	snop  }
0x3b: {  	_ = 	snop  }
0x3c: {  	p2 =	seq.s32 s10, $0x1;
	s10 =	sld [smem:$0x3FB4]  }
0x3d: {  	_ =	shalt  }
0x3e: {  	_ =	shalt  }
0x3f: {  	_ =	shalt  }
0x40: {  	_ =	shalt  }
0x41: {  	_ =	shalt  }
0x42: {  	_ =	shalt  }
0x43: {  	_ =	shalt  }
0x44: {  	_ =	shalt  }
0x45: {  	_ =	shalt  }
0x46: {  	_ =	shalt  }
0x47: {  	_ =	shalt  }
0x48: {  	_ =	shalt  }
0x49: {  	_ =	shalt  }
0x4a: {  	_ =	shalt  }
0x4b: {  	_ =	shalt  }
0x4c: {  	_ =	shalt  }
0x4d: {  	_ =	shalt  }
0x4e: {  	_ =	shalt  }
0x4f: {  	_ =	shalt  }
0x50: {  	_ =	shalt  }
0x51: {  	_ =	shalt  }
0x52: {  	_ =	shalt  }
0x53: {  	_ =	shalt  }
0x54: {  	_ =	shalt  }
0x55: {  	_ =	shalt  }
0x56: {  	_ =	shalt  }
0x57: {  	_ =	shalt  }
0x58: {  	_ =	shalt  }
0x59: {  	_ =	shalt  }
0x5a: {  	_ =	shalt  }
0x5b: {  	_ =	shalt  }
0x5c: {  	_ =	shalt  }
0x5d: {  	_ =	shalt  }
0x5e: {  	_ =	shalt  }
0x5f: {  	_ =	shalt  }
0x60: {  	_ =	shalt  }
0x61: {  	_ =	shalt  }
0x62: {  	_ =	shalt  }
0x63: {  	_ =	shalt  }
0x64: {  	_ =	shalt  }
0x65: {  	_ =	shalt  }
0x66: {  	_ =	shalt  }
0x67: {  	_ =	shalt  }
0x68: {  	_ =	shalt  }
0x69: {  	_ =	shalt  }
0x6a: {  	_ =	shalt  }
0x6b: {  	_ =	shalt  }
0x6c: {  	_ =	shalt  }
0x6d: {  	_ =	shalt  }
0x6e: {  	_ =	shalt  }
0x6f: {  	_ =	shalt  }
0x70: {  	_ =	shalt  }
0x71: {  	_ =	shalt  }
0x72: {  	_ =	shalt  }
0x73: {  	_ =	shalt  }
0x74: {  	_ =	shalt  }
0x75: {  	_ =	shalt  }
0x76: {  	_ =	shalt  }
0x77: {  	_ =	shalt  }
0x78: {  	_ =	shalt  }
0x79: {  	_ =	shalt  }
0x7a: {  	_ =	shalt  }
0x7b: {  	_ =	shalt  }
0x7c: {  	_ =	shalt  }
0x7d: {  	_ =	shalt  }
0x7e: {  	_ =	shalt  }
0x7f: {  	_ =	shalt  }
0x80: {  	_ =	shalt  }
0x81: {  	_ =	shalt  }
0x82: {  	_ =	shalt  }
0x83: {  	_ =	shalt  }
0x84: {  	_ =	shalt  }
0x85: {  	_ =	shalt  }
0x86: {  	_ =	shalt  }
0x87: {  	_ =	shalt  }
.Lfunc_end0:
.L_simem_size_0:
called_computation_lowered:
.L_overlay_start_0:
0x88: {  	s2 =	sld [smem:$0x3FD9]  }
0x89: {  	s3 =	sld [smem:$0x3FFE];
	_ =	sdelay $0x1  }
0x8a: {  	s1 =	srdreg.scid  }
0x8b: {  	s0 =	sand.u32 $0x1, s1  }
0x8c: {  	s17 =	sshll.u32 s0, $0xA;
	s2 =	sadd.s32 s3, s2  }
0x8d: {  	s2 =	sadd.s32 s2, s17  }
0x8e: {  	[smem:$0x3FC0] =	sst s2  }
0x8f: {  	_ = 	snop  }
0x90: {  	s2 =	sld [smem:$0x3FD0];
	(tm) =	ssettm $0x1  }
0x91: {  	s18 =	sld [smem:$0x3FFB];
	_ =	sdelay $0x3  }
0x92: {  	_ =	strace s18  }
0x93: {  	s3 =	sld [smem:$0x3FFC];
	_ =	sdelay $0x3  }
0x94: {  	_ =	strace s3  }
0x95: {  	s3 =	sld [smem:$0x3FFD];
	_ =	sdelay $0x3  }
0x96: {  	_ =	strace s3  }
0x97: {  	_ =	strace $0x8FFFFFFF  }
0x98: {  	s19 =	sld [smem:$0x3FDB];
	_ =	sdelay $0x1  }
0x99: {  	s4 =	simm.s32 $_scs_section_size  }
0x9a: {  	s5 =	simm.s32 $_size__tile_overlayer_lowered;
	s6 =	simm.s32 $_tile_overlayer_lowered  }
0x9b: {  	s22 =	simm.s32 $0x1BFF;
	s21 =	sshll.u32 s6, $0x1;
	s3 =	sadd.s32 s4, s19  }
0x9c: {  	s7 =	simm.s32 $0x0;
	s20 =	sshll.u32 s5, $0x1;
	s5 =	sadd.s32 s21, s3  }
0x9d: {  	[timem:s7], [sflag:s22] =	dma.local [hbm:s5], s20  }
0x9e: {  	_ =	swait.ge [sflag:s22], s20  }
0x9f: {  	s4 =	ssub.s32 $0x0, s20;
	[sflag:s22] =	ssyncset.done $0x0  }
0xa0: {  	[sflag:s22] =	ssyncadd.s32 s4;
	_ =	sdelay $0x1  }
0xa1: {  	s23 =	simm.s32 $0x1B8B  }
0xa2: {  	_ =	swait.ge [sflag:s23], $0x1  }
0xa3: {  	[sflag:s23] =	ssyncset.done $0x0  }
0xa4: {  	s25 =	simm.s32 $0x1B8E;
	s24 =	sld [smem:$0x3FFE];
	[sflag:s23] =	ssyncadd.s32 $0xFFFFFFFF  }
0xa5: {  	s26 =	simm.s32 $execute0_lowered;
	[smem:$0x3FD2] =	sst s25  }
0xa6: {  	s5 =	sshll.u32 s26, $0x1;
	_ =	strace $0x80000046;
	[dreg:$0x1] =	wrdreg $0xFFFFFFFF  }
0xa7: {  	s28 =	simm.s32 $_size_execute0_lowered;
	s3 =	sadd.s32 s3, s5;
	[dreg:$0x0] =	wrdreg $0x0  }
0xa8: {  	s5 =	sshll.u32 s28, $0x1;
	[dreg:$0x2] =	wrdreg s3  }
0xa9: {  	[dreg:$0x3] =	wrdreg s5  }
0xaa: {  	[dreg:$0x4] =	wrdreg $0xC0  }
0xab: {  	_ =	task [dreg:s7], $0x5FFFF  }
0xac: {  	[dreg:$0x1] =	wrdreg $0xFFFFFFFF  }
0xad: {  	[dreg:$0x0] =	wrdreg $0x60  }
0xae: {  	[dreg:$0x2] =	wrdreg s24  }
0xaf: {  	[dreg:$0x3] =	wrdreg s2  }
0xb0: {  	[dreg:$0x4] =	wrdreg $0x40800  }
0xb1: {  	[dreg:$0x5] =	wrdreg $0x9  }
0xb2: {  	_ =	task.clear_ibuf [dreg:s7], $0x6FFFF;
	_ =	strace $0x90000046  }
0xb3: {  	s29 =	simm.s32 $0x9;
	_ =	strace $0x80000048  }
0xb4: {  	_ =	swait.ge [sflag:s29], $0x1  }
0xb5: {  	[sflag:s29] =	ssyncadd.s32 $0xFFFFFFFF  }
0xb6: {  	_ =	strace $0x90000048  }
0xb7: {  	_ =	sfence  }
0xb8: {  	s30 =	sld [smem:$0x0];
	_ =	sdelay $0x2  }
0xb9: {  	s31 =	sshll.u32 s1, $0xD;
	s1 =	sshrl.u32 s1, $0x2  }
0xba: {  	s3 =	sand.u32 $0x4000, s31;
	s1 =	sadd.s32 s1, s30  }
0xbb: {  	s0 =	sor.u32 s3, s0;
	s1 =	sshll.u32 s1, $0x11  }
0xbc: {  	s0 =	sor.u32 s1, s0  }
0xbd: {  	s0 =	sadd.s32 $0x8F2B, s0  }
0xbe: {  	[sflag:s0] =	ssyncadd.remote.s32 $0x1  }
0xbf: {  	_ =	sfence.sel $0xFFFF  }
0xc0: {  	[dreg:$0x0] =	wrdreg $0xFFFFFFFF;
	(pc) =	sbr.abs _section_cstart, $3  }
0xc1: {  	[dreg:$0x1] =	wrdreg $0xFFFFFFFF  }
0xc2: {  	_ =	task.clear_ibuf [dreg:s7], $0x2FFFF;
	_ =	strace $0x9FFFFFFF  }
0xc3: {  	(tm) =	ssettm $0x7FFFFFFF  }
tec
execute0_lowered:
.L_overlay_start_1:
0x0: {  	(tag) =	ssettag $0x1  }
0x1: {  	s6 =	rddreg [dreg:$0x0]  }
0x2: {  	s2 =	rddreg [dreg:$0x1]  }
0x3: {  	s3 =	rddreg [dreg:$0x2];
	s4 =	srdreg.scid  }
0x4: {  	s0 =	rddreg [dreg:$0x3];
	s1 =	stileid.u32  }
0x5: {  	s14 =	simm.s32 $0x0;
	s5 =	sand.u32 $0x1, s4;
	s28 =	smul.u32 $0x14000, s1  }
0x6: {  	s7 =	sshll.u32 s1, $0x8;
	s4 =	simm.s32 $0x0;
	s31 =	smul.u32 $0x50000, s1  }
0x7: {  	p0 =	slt.u32 s1, $0x2;
	s12 =	sshll.u32 s1, $0x6;
	s8 =	sshll.u32 s5, $0x7  }
0x8: {  	s9 =	smul.u32 $0x140000, s5;
	[smem:$0x7FF] =	sst s4;
	s30 =	ssub.s32 $0x2, s5  }
0x9: {  	s5 =	sadd.s32 $0x16200, s6;
	s12 =	sor.u32 $0x1C01, s12;
	s7 =	sor.u32 s8, s7  }
0xa: {  	_ =	strace $0x80000047;
	s11 =	sshrl.u32 s30, $0x1;
	s7 =	sshrl.u32 s7, $0x3  }
0xb: {  	s29 =	sadd.s32 s28, s9;
	s9 =	sshrl.u32 s31, $0x2;
	s8 =	ssub.s32 s30, s11  }
0xc: {  	s11 =	simm.s32 $0x1;
	s10 =	sadd.s32 s7, s6;
	s7 =	sshrl.u32 s29, $0x3  }
0xd: {  	s13 =	sadd.s32 s9, s3;
	s8 =	smax.u32 s8, $0x1;
	s7 =	sadd.s32 s7, s6  }
0xe: {  	s6 =	simm.s32 $0x4F;
	s9 =	sadd.s32 $0xC400, s10;
	s10 =	simm.s32 $0x80  }
0xf: {  	s13 =	sshrl.u32 s13, $0x3;
	s6 =	simm.s32 @!p0 $0x4E;
	s7 =	sadd.s32 $0x18A00, s7  }
.LBB2_1:
0x10: {  	[tilespmem:s10], [sflag:$0x1] =	stream.linear.gather [hbm4b:s2+s4], $0x4000, $0x38;
	[tilespmem:$0x18080] =	vst v63  }
0x11: {  	_ =	swait.ge [sflag:s11], $0x4000  }
0x12: {  	[sflag:s11] =	ssyncset.done $0x0  }
0x13: {  	[sflag:s11] =	ssyncadd.s32 $0xFFFFC000  }
0x14: {  	[spmem:s13], [sflag:s12] =	dma.local [hbm:s5], $0x2800  }
0x15: {  	_ =	swait.ge [sflag:s11], $0x2800  }
0x16: {  	[sflag:s11] =	ssyncset.done $0x0  }
0x17: {  	[sflag:s11] =	ssyncadd.s32 $0xFFFFD800  }
0x18: {  	[bflag:$0x0] =	sbarrier.arrive $0xFFFF  }
0x19: {  	[tilespmem:s4], [sflag:$0x1] =	stream.linear.gather [hbm4b:s9+s4], $0x80, $0x38;
	[tilespmem:$0x18080] =	vst v63  }
0x1a: {  	p0 =	sne.s32 s6, $0x1;
	_ =	swait.ge [sflag:s11], $0x80  }
.Ltmp0:
0x1b: {  	[sflag:s11] =	ssyncset.done $0x0;
	(pc) =	sbr.rel @!p0 .LBB2_3-.Ltmp0, $4  }
0x1c: {  	[sflag:s11] =	ssyncadd.s32 $0xFFFFFF80  }
0x1d: {  	[spmem:s3] =	stream.indirect.scatter.add.f32 [tilespmem:s10], [sflag:$0x1], $0x80, s4, s10, $0xb8;
	[tilespmem:$0x18080] =	vst v63  }
0x1e: {  	_ =	swait.ge [sflag:s11], $0x4000  }
0x1f: {  	s15 =	sadd.s32 $0xFFFFFFFF, s6;
	s16 =	smov.u32 s9;
	[sflag:s11] =	ssyncset.done $0x0  }
.LBB2_2:
0x20: {  	p0 =	sne.s32 s15, $0x1;
	[sflag:s11] =	ssyncadd.s32 $0xFFFFC000;
	s16 =	sadd.s32 $0x200, s16  }
0x21: {  	[tilespmem:s4], [sflag:$0x1] =	stream.linear.gather [hbm4b:s16+s4], $0x80, $0x38;
	[tilespmem:$0x18080] =	vst v63  }
0x22: {  	s15 =	sadd.s32 $0xFFFFFFFF, s15;
	_ =	swait.ge [sflag:s11], $0x80  }
.Ltmp1:
0x23: {  	[sflag:s11] =	ssyncset.done $0x0;
	(pc) =	sbr.rel @p0 .LBB2_2-.Ltmp1, $4  }
0x24: {  	[sflag:s11] =	ssyncadd.s32 $0xFFFFFF80  }
0x25: {  	[spmem:s3] =	stream.indirect.scatter.add.f32 [tilespmem:s10], [sflag:$0x1], $0x80, s4, s10, $0xb8;
	[tilespmem:$0x18080] =	vst v63  }
0x26: {  	_ =	swait.ge [sflag:s11], $0x4000  }
0x27: {  	[sflag:s11] =	ssyncset.done $0x0  }
.LBB2_3:
0x28: {  	s14 =	sadd.s32 $0x1, s14  }
0x29: {  	[sflag:s11] =	ssyncadd.s32 $0xFFFFC000;
	p0 =	sne.s32 s14, s8  }
.Ltmp2:
0x2a: {  	[bflag:$0x0] =	sbarrier.arrive $0xFFFF;
	(pc) =	sbr.rel @p0 .LBB2_1-.Ltmp2, $4  }
0x2b: {  	[hbm:s7], [sflag:s12] =	dma.local [spmem:s13], $0x2800  }
0x2c: {  	_ =	swait.ge [sflag:s11], $0x2800  }
0x2d: {  	[sflag:s11] =	ssyncset.done $0x0  }
0x2e: {  	[sflag:s11] =	ssyncadd.s32 $0xFFFFD800  }
0x2f: {  	_ =	sfence.sel $0x180000  }
0x30: {  	[bflag:$0x0] =	sbarrier.arrive $0xFFFF  }
0x31: {  	p0 =	sne.s32 s1, $0x0;
	_ =	strace $0x90000047  }
0x32: {  	s0 =	sadd.s32 @!p0 $0x100000, s0;
	[bflag:$0x2] =	sbarrier.arrive $0xFFFF  }
0x33: {  	[sflag:s0] =	ssyncadd.tile.s32 @!p0 $0x1;
	_ =	shalt  }
.Lfunc_end2:
_tile_overlayer_lowered:
.L_overlay_start_2:
0x34: {  	(tag) =	ssettag $0x2  }
0x35: {  	s0 =	rddreg [dreg:$0x0];
	s2 =	stileid.u32  }
0x36: {  	s1 =	rddreg [dreg:$0x1];
	p0 =	sne.s32 s2, $0x0  }
0x37: {  	s3 =	rddreg [dreg:$0x2];
	[bflag:$0x3] =	sbarrier.arrive $0xFFFF;
	s2 =	simm.s32 @!p0 $0x1C01  }
0x38: {  	[timem:s3], [sflag:s2] =	dma.local @!p0 [hbm:s0], s1  }
0x39: {  	s0 =	simm.s32 @!p0 $0x1  }
0x3a: {  	_ =	swait.ge @!p0 [sflag:s0], s1  }
0x3b: {  	s1 =	ssub.s32 @!p0 $0x0, s1;
	[sflag:s0] =	ssyncset.done @!p0 $0x0  }
0x3c: {  	[sflag:s0] =	ssyncadd.s32 @!p0 s1  }
0x3d: {  	[bflag:$0x3] =	sbarrier.arrive $0xFFFF  }
0x3e: {  	_ =	shalt  }

</sc_bundles>
